<compile_context>
chip_gen: v7x
topology: tpu7x:2x2x1
jax: 0.10.2.dev20260603
libtpu: 0.0.44.dev20260713+nightly
codegen_flags: <defaults>
</compile_context>

<pallas_src>
import functools

import jax
import jax.numpy as jnp
from jax import lax
from jax.experimental import pallas as pl
from jax.experimental.pallas import tpu as pltpu
from jax.experimental.pallas import tpu_sc as plsc

BATCH = 16384
DIM = 32
NC = 2
NS = 16
NW = NC * NS
BW = BATCH // NW
CH = 128
NCH = BW // CH
GROUPS = BW // 16


def _body(x0_hbm, x1_hbm, u_hbm, ub_hbm, p_hbm, pb_hbm, out_hbm,
          idx0, idx1, ur, pr, ubv, pbv, ov, sem):
    wid = lax.axis_index("s") * NC + lax.axis_index("c")

    pltpu.sync_copy(x0_hbm.at[wid], idx0)
    pltpu.sync_copy(x1_hbm.at[wid], idx1)

    copies = []
    for c in range(NCH):
        dst = pl.ds(c * CH, CH)
        copies.append(pltpu.async_copy(u_hbm.at[idx0.at[c]], ur.at[dst], sem))
        copies.append(pltpu.async_copy(p_hbm.at[idx1.at[c]], pr.at[dst], sem))
        copies.append(pltpu.async_copy(ub_hbm.at[0].at[idx0.at[c]], ubv.at[dst], sem))
        copies.append(pltpu.async_copy(pb_hbm.at[0].at[idx1.at[c]], pbv.at[dst], sem))
    for cp in copies:
        cp.wait()

    lane = lax.broadcasted_iota(jnp.int32, (16,), 0)

    def group(g, carry):
        base = g * 16
        rows = base + lane
        acc = ubv[pl.ds(base, 16)] + pbv[pl.ds(base, 16)]
        for d in range(DIM):
            cols = jnp.full((16,), d, jnp.int32)
            uu = plsc.load_gather(ur, [rows, cols])
            pp = plsc.load_gather(pr, [rows, cols])
            acc = acc + uu * pp
        ov[pl.ds(base, 16)] = 1.05 / (1.0 + jnp.exp(-acc))
        return carry

    lax.fori_loop(0, GROUPS, group, 0)
    pltpu.sync_copy(ov, out_hbm.at[pl.ds(wid * BW, BW)])


_sc_call = functools.partial(
    pl.kernel,
    mesh=plsc.VectorSubcoreMesh(
        core_axis_name="c", subcore_axis_name="s", num_cores=NC, num_subcores=NS
    ),
    out_type=jax.ShapeDtypeStruct((BATCH,), jnp.float32),
    compiler_params=pltpu.CompilerParams(
        needs_layout_passes=False, use_tc_tiling_on_sc=False
    ),
    scratch_types=[
        pltpu.VMEM((NCH, CH), jnp.int32),
        pltpu.VMEM((NCH, CH), jnp.int32),
        pltpu.VMEM((BW, DIM), jnp.float32),
        pltpu.VMEM((BW, DIM), jnp.float32),
        pltpu.VMEM((BW,), jnp.float32),
        pltpu.VMEM((BW,), jnp.float32),
        pltpu.VMEM((BW,), jnp.float32),
        pltpu.SemaphoreType.DMA,
    ],
)(_body)


def kernel(x, u, u_bias, p, p_bias):
    x0 = x[:, 0].astype(jnp.int32).reshape(NW, NCH, CH)
    x1 = x[:, 1].astype(jnp.int32).reshape(NW, NCH, CH)
    return _sc_call(x0, x1, u, u_bias.T, p, p_bias.T)

# --- scband reference (transcript-rebuilt; emitter-appended) ---
"""Pipeline reference for scband-dot-product-2276332667636 (READ-ONLY COPY).

The authoritative reference and input builder live on the scoring server;
editing this copy changes nothing except your own understanding.
"""

import jax, jax.numpy as jnp
import numpy as np

VOCAB = 1000000
DIM = 32
BATCH = 16384

def setup_inputs(seed: int = 0) -> dict:
    key = jax.random.key(seed)
    k_x, k_u, k_ub, k_p, k_pb = jax.random.split(key, 5)
    x = jax.random.randint(k_x, (BATCH, 2), 0, VOCAB, dtype=jnp.int64) if jax.config.jax_enable_x64 else jax.random.randint(k_x, (BATCH, 2), 0, VOCAB, dtype=jnp.int32)
    u = jax.random.normal(k_u, (VOCAB, DIM), dtype=jnp.float32)
    u_bias = jax.random.normal(k_ub, (VOCAB, 1), dtype=jnp.float32)
    p = jax.random.normal(k_p, (VOCAB, DIM), dtype=jnp.float32)
    p_bias = jax.random.normal(k_pb, (VOCAB, 1), dtype=jnp.float32)
    return {"x": x, "u": u, "u_bias": u_bias, "p": p, "p_bias": p_bias}

def reference(x, u, u_bias, p, p_bias):
    users = jnp.take(u, x[:, 0], axis=0)
    posts = jnp.take(p, x[:, 1], axis=0)
    res = jnp.sum(users * posts, axis=1, keepdims=True)
    res = res + jnp.take(u_bias, x[:, 0], axis=0) + jnp.take(p_bias, x[:, 1], axis=0)
    res = jnp.squeeze(res, axis=1)
    return jax.nn.sigmoid(res) * 1.05

if False:  # reference __main__ guard neutralized (emitter)
    out = reference(**setup_inputs())
    print(out.shape, out.dtype)

if __name__ == "__main__":
    import jax
    _d = setup_inputs()
    print(jax.jit(kernel)(*tuple(_d.values())))

</pallas_src>

<mosaic_0001>
#map = affine_map<(d0, d1) -> (0, 0, 0)>
#map1 = affine_map<(d0, d1) -> (0, 0)>
#map2 = affine_map<(d0, d1) -> (0)>
module attributes {stable_mosaic.version = 14 : i64} {
  func.func @_body(%arg0: i32, %arg1: i32, %arg2: memref<32x4x128xi32, #tpu.memory_space<hbm>>, %arg3: memref<32x4x128xi32, #tpu.memory_space<hbm>>, %arg4: memref<1000000x32xf32, #tpu.memory_space<hbm>>, %arg5: memref<1x1000000xf32, #tpu.memory_space<hbm>>, %arg6: memref<1000000x32xf32, #tpu.memory_space<hbm>>, %arg7: memref<1x1000000xf32, #tpu.memory_space<hbm>>, %arg8: memref<16384xf32, #tpu.memory_space<hbm>>, %arg9: memref<4x128xi32, #tpu.memory_space<vmem>>, %arg10: memref<4x128xi32, #tpu.memory_space<vmem>>, %arg11: memref<512x32xf32, #tpu.memory_space<vmem>>, %arg12: memref<512x32xf32, #tpu.memory_space<vmem>>, %arg13: memref<512xf32, #tpu.memory_space<vmem>>, %arg14: memref<512xf32, #tpu.memory_space<vmem>>, %arg15: memref<512xf32, #tpu.memory_space<vmem>>, %arg16: memref<!tpu.dma_semaphore, #tpu.memory_space<semaphore_mem>>) attributes {dimension_semantics = [#tpu.dimension_semantics<core_parallel>, #tpu.dimension_semantics<subcore_parallel>], iteration_bounds = array<i64: 2, 16>, scalar_prefetch = 0 : i64, scratch_operands = 8 : i64, tpu.core_type = #tpu.core_type<sc_vector_subcore>, window_params = [{transform_indices = #map}, {transform_indices = #map}, {transform_indices = #map1}, {transform_indices = #map1}, {transform_indices = #map1}, {transform_indices = #map1}, {transform_indices = #map2}]} {
    %mul3A = arith.constant 2 : i32
    %mul3A_0 = arith.muli %arg1, %mul3A : i32
    %add3A = arith.addi %mul3A_0, %arg0 : i32
    "tpu.region"() ({
      %run_scoped3A = tpu.sem_alloc : memref<!tpu.dma_semaphore, #tpu.memory_space<semaphore_mem>>
      %dma_start3A_358 = arith.constant 0 : i32
      %dma_start3A_359 = arith.constant 0 : i32
      %dma_start3A_360 = tpu.memref_slice %arg2[%add3A, %dma_start3A_358, %dma_start3A_359] : memref<32x4x128xi32, #tpu.memory_space<hbm>> -> memref<1x4x128xi32, #tpu.memory_space<hbm>>
      %dma_start3A_361 = tpu.memref_squeeze %dma_start3A_360 : memref<1x4x128xi32, #tpu.memory_space<hbm>> -> memref<4x128xi32, #tpu.memory_space<hbm>>
      %dma_start3A_362 = arith.constant 0 : i32
      %dma_start3A_363 = arith.constant 0 : i32
      %dma_start3A_364 = tpu.memref_slice %arg2[%add3A, %dma_start3A_362, %dma_start3A_363] : memref<32x4x128xi32, #tpu.memory_space<hbm>> -> memref<1x4x128xi32, #tpu.memory_space<hbm>>
      %dma_start3A_365 = tpu.memref_squeeze %dma_start3A_364 : memref<1x4x128xi32, #tpu.memory_space<hbm>> -> memref<4x128xi32, #tpu.memory_space<hbm>>
      tpu.enqueue_dma source(%dma_start3A_365 : memref<4x128xi32, #tpu.memory_space<hbm>>) target(%arg9 : memref<4x128xi32, #tpu.memory_space<vmem>>) target_semaphore(%run_scoped3A : memref<!tpu.dma_semaphore, #tpu.memory_space<semaphore_mem>>)
      %dma_wait3A_366 = arith.constant 0 : i32
      %dma_wait3A_367 = arith.constant 0 : i32
      %dma_wait3A_368 = tpu.memref_slice %arg2[%add3A, %dma_wait3A_366, %dma_wait3A_367] : memref<32x4x128xi32, #tpu.memory_space<hbm>> -> memref<1x4x128xi32, #tpu.memory_space<hbm>>
      %dma_wait3A_369 = tpu.memref_squeeze %dma_wait3A_368 : memref<1x4x128xi32, #tpu.memory_space<hbm>> -> memref<4x128xi32, #tpu.memory_space<hbm>>
      %dma_wait3A_370 = arith.constant 0 : i32
      %dma_wait3A_371 = arith.constant 0 : i32
      %dma_wait3A_372 = tpu.memref_slice %arg2[%add3A, %dma_wait3A_370, %dma_wait3A_371] : memref<32x4x128xi32, #tpu.memory_space<hbm>> -> memref<1x4x128xi32, #tpu.memory_space<hbm>>
      %dma_wait3A_373 = tpu.memref_squeeze %dma_wait3A_372 : memref<1x4x128xi32, #tpu.memory_space<hbm>> -> memref<4x128xi32, #tpu.memory_space<hbm>>
      tpu.wait_dma2 semaphore(%run_scoped3A : memref<!tpu.dma_semaphore, #tpu.memory_space<semaphore_mem>>) src(%dma_wait3A_373 : memref<4x128xi32, #tpu.memory_space<hbm>>) dst(%arg9 : memref<4x128xi32, #tpu.memory_space<vmem>>)
      tpu.yield
    }) : () -> ()
    "tpu.region"() ({
      %run_scoped3A = tpu.sem_alloc : memref<!tpu.dma_semaphore, #tpu.memory_space<semaphore_mem>>
      %dma_start3A_358 = arith.constant 0 : i32
      %dma_start3A_359 = arith.constant 0 : i32
      %dma_start3A_360 = tpu.memref_slice %arg3[%add3A, %dma_start3A_358, %dma_start3A_359] : memref<32x4x128xi32, #tpu.memory_space<hbm>> -> memref<1x4x128xi32, #tpu.memory_space<hbm>>
      %dma_start3A_361 = tpu.memref_squeeze %dma_start3A_360 : memref<1x4x128xi32, #tpu.memory_space<hbm>> -> memref<4x128xi32, #tpu.memory_space<hbm>>
      %dma_start3A_362 = arith.constant 0 : i32
      %dma_start3A_363 = arith.constant 0 : i32
      %dma_start3A_364 = tpu.memref_slice %arg3[%add3A, %dma_start3A_362, %dma_start3A_363] : memref<32x4x128xi32, #tpu.memory_space<hbm>> -> memref<1x4x128xi32, #tpu.memory_space<hbm>>
      %dma_start3A_365 = tpu.memref_squeeze %dma_start3A_364 : memref<1x4x128xi32, #tpu.memory_space<hbm>> -> memref<4x128xi32, #tpu.memory_space<hbm>>
      tpu.enqueue_dma source(%dma_start3A_365 : memref<4x128xi32, #tpu.memory_space<hbm>>) target(%arg10 : memref<4x128xi32, #tpu.memory_space<vmem>>) target_semaphore(%run_scoped3A : memref<!tpu.dma_semaphore, #tpu.memory_space<semaphore_mem>>)
      %dma_wait3A_366 = arith.constant 0 : i32
      %dma_wait3A_367 = arith.constant 0 : i32
      %dma_wait3A_368 = tpu.memref_slice %arg3[%add3A, %dma_wait3A_366, %dma_wait3A_367] : memref<32x4x128xi32, #tpu.memory_space<hbm>> -> memref<1x4x128xi32, #tpu.memory_space<hbm>>
      %dma_wait3A_369 = tpu.memref_squeeze %dma_wait3A_368 : memref<1x4x128xi32, #tpu.memory_space<hbm>> -> memref<4x128xi32, #tpu.memory_space<hbm>>
      %dma_wait3A_370 = arith.constant 0 : i32
      %dma_wait3A_371 = arith.constant 0 : i32
      %dma_wait3A_372 = tpu.memref_slice %arg3[%add3A, %dma_wait3A_370, %dma_wait3A_371] : memref<32x4x128xi32, #tpu.memory_space<hbm>> -> memref<1x4x128xi32, #tpu.memory_space<hbm>>
      %dma_wait3A_373 = tpu.memref_squeeze %dma_wait3A_372 : memref<1x4x128xi32, #tpu.memory_space<hbm>> -> memref<4x128xi32, #tpu.memory_space<hbm>>
      tpu.wait_dma2 semaphore(%run_scoped3A : memref<!tpu.dma_semaphore, #tpu.memory_space<semaphore_mem>>) src(%dma_wait3A_373 : memref<4x128xi32, #tpu.memory_space<hbm>>) dst(%arg10 : memref<4x128xi32, #tpu.memory_space<vmem>>)
      tpu.yield
    }) : () -> ()
    %dma_start3A = arith.constant 0 : i32
    %dma_start3A_1 = arith.constant 0 : i32
    %dma_start3A_2 = arith.constant 0 : i32
    %dma_start3A_3 = tpu.memref_slice %arg11[%dma_start3A_1, %dma_start3A_2] : memref<512x32xf32, #tpu.memory_space<vmem>> -> memref<128x32xf32, #tpu.memory_space<vmem>>
    %dma_start3A_4 = arith.constant 0 : i32
    %dma_start3A_5 = tpu.memref_slice %arg9[%dma_start3A, %dma_start3A_4] : memref<4x128xi32, #tpu.memory_space<vmem>> -> memref<1x128xi32, #tpu.memory_space<vmem>>
    %dma_start3A_6 = tpu.memref_squeeze %dma_start3A_5 : memref<1x128xi32, #tpu.memory_space<vmem>> -> memref<128xi32, #tpu.memory_space<vmem>>
    %dma_start3A_7 = arith.constant 0 : i32
    %dma_start3A_8 = arith.constant 0 : i32
    %dma_start3A_9 = tpu.memref_slice %arg4[%dma_start3A_7, %dma_start3A_8] : memref<1000000x32xf32, #tpu.memory_space<hbm>> -> memref<1000000x32xf32, #tpu.memory_space<hbm>>
    tpu.enqueue_indirect_dma source(%dma_start3A_9 : memref<1000000x32xf32, #tpu.memory_space<hbm>>) target(%dma_start3A_3 : memref<128x32xf32, #tpu.memory_space<vmem>>) offsets(%dma_start3A_6 : memref<128xi32, #tpu.memory_space<vmem>>) semaphore(%arg16 : memref<!tpu.dma_semaphore, #tpu.memory_space<semaphore_mem>>)
    %dma_start3A_10 = arith.constant 0 : i32
    %dma_start3A_11 = arith.constant 0 : i32
    %dma_start3A_12 = arith.constant 0 : i32
    %dma_start3A_13 = tpu.memref_slice %arg12[%dma_start3A_11, %dma_start3A_12] : memref<512x32xf32, #tpu.memory_space<vmem>> -> memref<128x32xf32, #tpu.memory_space<vmem>>
    %dma_start3A_14 = arith.constant 0 : i32
    %dma_start3A_15 = tpu.memref_slice %arg10[%dma_start3A_10, %dma_start3A_14] : memref<4x128xi32, #tpu.memory_space<vmem>> -> memref<1x128xi32, #tpu.memory_space<vmem>>
    %dma_start3A_16 = tpu.memref_squeeze %dma_start3A_15 : memref<1x128xi32, #tpu.memory_space<vmem>> -> memref<128xi32, #tpu.memory_space<vmem>>
    %dma_start3A_17 = arith.constant 0 : i32
    %dma_start3A_18 = arith.constant 0 : i32
    %dma_start3A_19 = tpu.memref_slice %arg6[%dma_start3A_17, %dma_start3A_18] : memref<1000000x32xf32, #tpu.memory_space<hbm>> -> memref<1000000x32xf32, #tpu.memory_space<hbm>>
    tpu.enqueue_indirect_dma source(%dma_start3A_19 : memref<1000000x32xf32, #tpu.memory_space<hbm>>) target(%dma_start3A_13 : memref<128x32xf32, #tpu.memory_space<vmem>>) offsets(%dma_start3A_16 : memref<128xi32, #tpu.memory_space<vmem>>) semaphore(%arg16 : memref<!tpu.dma_semaphore, #tpu.memory_space<semaphore_mem>>)
    %dma_start3A_20 = arith.constant 0 : i32
    %dma_start3A_21 = arith.constant 0 : i32
    %dma_start3A_22 = arith.constant 0 : i32
    %dma_start3A_23 = tpu.memref_slice %arg13[%dma_start3A_22] : memref<512xf32, #tpu.memory_space<vmem>> -> memref<128xf32, #tpu.memory_space<vmem>>
    %dma_start3A_24 = arith.constant 0 : i32
    %dma_start3A_25 = tpu.memref_slice %arg9[%dma_start3A_21, %dma_start3A_24] : memref<4x128xi32, #tpu.memory_space<vmem>> -> memref<1x128xi32, #tpu.memory_space<vmem>>
    %dma_start3A_26 = tpu.memref_squeeze %dma_start3A_25 : memref<1x128xi32, #tpu.memory_space<vmem>> -> memref<128xi32, #tpu.memory_space<vmem>>
    %dma_start3A_27 = arith.constant 0 : i32
    %dma_start3A_28 = tpu.memref_slice %arg5[%dma_start3A_20, %dma_start3A_27] : memref<1x1000000xf32, #tpu.memory_space<hbm>> -> memref<1x1000000xf32, #tpu.memory_space<hbm>>
    %dma_start3A_29 = tpu.memref_squeeze %dma_start3A_28 : memref<1x1000000xf32, #tpu.memory_space<hbm>> -> memref<1000000xf32, #tpu.memory_space<hbm>>
    %dma_start3A_30 = arith.constant 0 : i32
    %dma_start3A_31 = tpu.memref_slice %dma_start3A_29[%dma_start3A_30] : memref<1000000xf32, #tpu.memory_space<hbm>> -> memref<1000000xf32, #tpu.memory_space<hbm>>
    tpu.enqueue_indirect_dma source(%dma_start3A_31 : memref<1000000xf32, #tpu.memory_space<hbm>>) target(%dma_start3A_23 : memref<128xf32, #tpu.memory_space<vmem>>) offsets(%dma_start3A_26 : memref<128xi32, #tpu.memory_space<vmem>>) semaphore(%arg16 : memref<!tpu.dma_semaphore, #tpu.memory_space<semaphore_mem>>)
    %dma_start3A_32 = arith.constant 0 : i32
    %dma_start3A_33 = arith.constant 0 : i32
    %dma_start3A_34 = arith.constant 0 : i32
    %dma_start3A_35 = tpu.memref_slice %arg14[%dma_start3A_34] : memref<512xf32, #tpu.memory_space<vmem>> -> memref<128xf32, #tpu.memory_space<vmem>>
    %dma_start3A_36 = arith.constant 0 : i32
    %dma_start3A_37 = tpu.memref_slice %arg10[%dma_start3A_33, %dma_start3A_36] : memref<4x128xi32, #tpu.memory_space<vmem>> -> memref<1x128xi32, #tpu.memory_space<vmem>>
    %dma_start3A_38 = tpu.memref_squeeze %dma_start3A_37 : memref<1x128xi32, #tpu.memory_space<vmem>> -> memref<128xi32, #tpu.memory_space<vmem>>
    %dma_start3A_39 = arith.constant 0 : i32
    %dma_start3A_40 = tpu.memref_slice %arg7[%dma_start3A_32, %dma_start3A_39] : memref<1x1000000xf32, #tpu.memory_space<hbm>> -> memref<1x1000000xf32, #tpu.memory_space<hbm>>
    %dma_start3A_41 = tpu.memref_squeeze %dma_start3A_40 : memref<1x1000000xf32, #tpu.memory_space<hbm>> -> memref<1000000xf32, #tpu.memory_space<hbm>>
    %dma_start3A_42 = arith.constant 0 : i32
    %dma_start3A_43 = tpu.memref_slice %dma_start3A_41[%dma_start3A_42] : memref<1000000xf32, #tpu.memory_space<hbm>> -> memref<1000000xf32, #tpu.memory_space<hbm>>
    tpu.enqueue_indirect_dma source(%dma_start3A_43 : memref<1000000xf32, #tpu.memory_space<hbm>>) target(%dma_start3A_35 : memref<128xf32, #tpu.memory_space<vmem>>) offsets(%dma_start3A_38 : memref<128xi32, #tpu.memory_space<vmem>>) semaphore(%arg16 : memref<!tpu.dma_semaphore, #tpu.memory_space<semaphore_mem>>)
    %dma_start3A_44 = arith.constant 1 : i32
    %dma_start3A_45 = arith.constant 128 : i32
    %dma_start3A_46 = arith.constant 0 : i32
    %dma_start3A_47 = tpu.memref_slice %arg11[%dma_start3A_45, %dma_start3A_46] : memref<512x32xf32, #tpu.memory_space<vmem>> -> memref<128x32xf32, #tpu.memory_space<vmem>>
    %dma_start3A_48 = arith.constant 0 : i32
    %dma_start3A_49 = tpu.memref_slice %arg9[%dma_start3A_44, %dma_start3A_48] : memref<4x128xi32, #tpu.memory_space<vmem>> -> memref<1x128xi32, #tpu.memory_space<vmem>>
    %dma_start3A_50 = tpu.memref_squeeze %dma_start3A_49 : memref<1x128xi32, #tpu.memory_space<vmem>> -> memref<128xi32, #tpu.memory_space<vmem>>
    %dma_start3A_51 = arith.constant 0 : i32
    %dma_start3A_52 = arith.constant 0 : i32
    %dma_start3A_53 = tpu.memref_slice %arg4[%dma_start3A_51, %dma_start3A_52] : memref<1000000x32xf32, #tpu.memory_space<hbm>> -> memref<1000000x32xf32, #tpu.memory_space<hbm>>
    tpu.enqueue_indirect_dma source(%dma_start3A_53 : memref<1000000x32xf32, #tpu.memory_space<hbm>>) target(%dma_start3A_47 : memref<128x32xf32, #tpu.memory_space<vmem>>) offsets(%dma_start3A_50 : memref<128xi32, #tpu.memory_space<vmem>>) semaphore(%arg16 : memref<!tpu.dma_semaphore, #tpu.memory_space<semaphore_mem>>)
    %dma_start3A_54 = arith.constant 1 : i32
    %dma_start3A_55 = arith.constant 128 : i32
    %dma_start3A_56 = arith.constant 0 : i32
    %dma_start3A_57 = tpu.memref_slice %arg12[%dma_start3A_55, %dma_start3A_56] : memref<512x32xf32, #tpu.memory_space<vmem>> -> memref<128x32xf32, #tpu.memory_space<vmem>>
    %dma_start3A_58 = arith.constant 0 : i32
    %dma_start3A_59 = tpu.memref_slice %arg10[%dma_start3A_54, %dma_start3A_58] : memref<4x128xi32, #tpu.memory_space<vmem>> -> memref<1x128xi32, #tpu.memory_space<vmem>>
    %dma_start3A_60 = tpu.memref_squeeze %dma_start3A_59 : memref<1x128xi32, #tpu.memory_space<vmem>> -> memref<128xi32, #tpu.memory_space<vmem>>
    %dma_start3A_61 = arith.constant 0 : i32
    %dma_start3A_62 = arith.constant 0 : i32
    %dma_start3A_63 = tpu.memref_slice %arg6[%dma_start3A_61, %dma_start3A_62] : memref<1000000x32xf32, #tpu.memory_space<hbm>> -> memref<1000000x32xf32, #tpu.memory_space<hbm>>
    tpu.enqueue_indirect_dma source(%dma_start3A_63 : memref<1000000x32xf32, #tpu.memory_space<hbm>>) target(%dma_start3A_57 : memref<128x32xf32, #tpu.memory_space<vmem>>) offsets(%dma_start3A_60 : memref<128xi32, #tpu.memory_space<vmem>>) semaphore(%arg16 : memref<!tpu.dma_semaphore, #tpu.memory_space<semaphore_mem>>)
    %dma_start3A_64 = arith.constant 0 : i32
    %dma_start3A_65 = arith.constant 1 : i32
    %dma_start3A_66 = arith.constant 128 : i32
    %dma_start3A_67 = tpu.memref_slice %arg13[%dma_start3A_66] : memref<512xf32, #tpu.memory_space<vmem>> -> memref<128xf32, #tpu.memory_space<vmem>>
    %dma_start3A_68 = arith.constant 0 : i32
    %dma_start3A_69 = tpu.memref_slice %arg9[%dma_start3A_65, %dma_start3A_68] : memref<4x128xi32, #tpu.memory_space<vmem>> -> memref<1x128xi32, #tpu.memory_space<vmem>>
    %dma_start3A_70 = tpu.memref_squeeze %dma_start3A_69 : memref<1x128xi32, #tpu.memory_space<vmem>> -> memref<128xi32, #tpu.memory_space<vmem>>
    %dma_start3A_71 = arith.constant 0 : i32
    %dma_start3A_72 = tpu.memref_slice %arg5[%dma_start3A_64, %dma_start3A_71] : memref<1x1000000xf32, #tpu.memory_space<hbm>> -> memref<1x1000000xf32, #tpu.memory_space<hbm>>
    %dma_start3A_73 = tpu.memref_squeeze %dma_start3A_72 : memref<1x1000000xf32, #tpu.memory_space<hbm>> -> memref<1000000xf32, #tpu.memory_space<hbm>>
    %dma_start3A_74 = arith.constant 0 : i32
    %dma_start3A_75 = tpu.memref_slice %dma_start3A_73[%dma_start3A_74] : memref<1000000xf32, #tpu.memory_space<hbm>> -> memref<1000000xf32, #tpu.memory_space<hbm>>
    tpu.enqueue_indirect_dma source(%dma_start3A_75 : memref<1000000xf32, #tpu.memory_space<hbm>>) target(%dma_start3A_67 : memref<128xf32, #tpu.memory_space<vmem>>) offsets(%dma_start3A_70 : memref<128xi32, #tpu.memory_space<vmem>>) semaphore(%arg16 : memref<!tpu.dma_semaphore, #tpu.memory_space<semaphore_mem>>)
    %dma_start3A_76 = arith.constant 0 : i32
    %dma_start3A_77 = arith.constant 1 : i32
    %dma_start3A_78 = arith.constant 128 : i32
    %dma_start3A_79 = tpu.memref_slice %arg14[%dma_start3A_78] : memref<512xf32, #tpu.memory_space<vmem>> -> memref<128xf32, #tpu.memory_space<vmem>>
    %dma_start3A_80 = arith.constant 0 : i32
    %dma_start3A_81 = tpu.memref_slice %arg10[%dma_start3A_77, %dma_start3A_80] : memref<4x128xi32, #tpu.memory_space<vmem>> -> memref<1x128xi32, #tpu.memory_space<vmem>>
    %dma_start3A_82 = tpu.memref_squeeze %dma_start3A_81 : memref<1x128xi32, #tpu.memory_space<vmem>> -> memref<128xi32, #tpu.memory_space<vmem>>
    %dma_start3A_83 = arith.constant 0 : i32
    %dma_start3A_84 = tpu.memref_slice %arg7[%dma_start3A_76, %dma_start3A_83] : memref<1x1000000xf32, #tpu.memory_space<hbm>> -> memref<1x1000000xf32, #tpu.memory_space<hbm>>
    %dma_start3A_85 = tpu.memref_squeeze %dma_start3A_84 : memref<1x1000000xf32, #tpu.memory_space<hbm>> -> memref<1000000xf32, #tpu.memory_space<hbm>>
    %dma_start3A_86 = arith.constant 0 : i32
    %dma_start3A_87 = tpu.memref_slice %dma_start3A_85[%dma_start3A_86] : memref<1000000xf32, #tpu.memory_space<hbm>> -> memref<1000000xf32, #tpu.memory_space<hbm>>
    tpu.enqueue_indirect_dma source(%dma_start3A_87 : memref<1000000xf32, #tpu.memory_space<hbm>>) target(%dma_start3A_79 : memref<128xf32, #tpu.memory_space<vmem>>) offsets(%dma_start3A_82 : memref<128xi32, #tpu.memory_space<vmem>>) semaphore(%arg16 : memref<!tpu.dma_semaphore, #tpu.memory_space<semaphore_mem>>)
    %dma_start3A_88 = arith.constant 2 : i32
    %dma_start3A_89 = arith.constant 256 : i32
    %dma_start3A_90 = arith.constant 0 : i32
    %dma_start3A_91 = tpu.memref_slice %arg11[%dma_start3A_89, %dma_start3A_90] : memref<512x32xf32, #tpu.memory_space<vmem>> -> memref<128x32xf32, #tpu.memory_space<vmem>>
    %dma_start3A_92 = arith.constant 0 : i32
    %dma_start3A_93 = tpu.memref_slice %arg9[%dma_start3A_88, %dma_start3A_92] : memref<4x128xi32, #tpu.memory_space<vmem>> -> memref<1x128xi32, #tpu.memory_space<vmem>>
    %dma_start3A_94 = tpu.memref_squeeze %dma_start3A_93 : memref<1x128xi32, #tpu.memory_space<vmem>> -> memref<128xi32, #tpu.memory_space<vmem>>
    %dma_start3A_95 = arith.constant 0 : i32
    %dma_start3A_96 = arith.constant 0 : i32
    %dma_start3A_97 = tpu.memref_slice %arg4[%dma_start3A_95, %dma_start3A_96] : memref<1000000x32xf32, #tpu.memory_space<hbm>> -> memref<1000000x32xf32, #tpu.memory_space<hbm>>
    tpu.enqueue_indirect_dma source(%dma_start3A_97 : memref<1000000x32xf32, #tpu.memory_space<hbm>>) target(%dma_start3A_91 : memref<128x32xf32, #tpu.memory_space<vmem>>) offsets(%dma_start3A_94 : memref<128xi32, #tpu.memory_space<vmem>>) semaphore(%arg16 : memref<!tpu.dma_semaphore, #tpu.memory_space<semaphore_mem>>)
    %dma_start3A_98 = arith.constant 2 : i32
    %dma_start3A_99 = arith.constant 256 : i32
    %dma_start3A_100 = arith.constant 0 : i32
    %dma_start3A_101 = tpu.memref_slice %arg12[%dma_start3A_99, %dma_start3A_100] : memref<512x32xf32, #tpu.memory_space<vmem>> -> memref<128x32xf32, #tpu.memory_space<vmem>>
    %dma_start3A_102 = arith.constant 0 : i32
    %dma_start3A_103 = tpu.memref_slice %arg10[%dma_start3A_98, %dma_start3A_102] : memref<4x128xi32, #tpu.memory_space<vmem>> -> memref<1x128xi32, #tpu.memory_space<vmem>>
    %dma_start3A_104 = tpu.memref_squeeze %dma_start3A_103 : memref<1x128xi32, #tpu.memory_space<vmem>> -> memref<128xi32, #tpu.memory_space<vmem>>
    %dma_start3A_105 = arith.constant 0 : i32
    %dma_start3A_106 = arith.constant 0 : i32
    %dma_start3A_107 = tpu.memref_slice %arg6[%dma_start3A_105, %dma_start3A_106] : memref<1000000x32xf32, #tpu.memory_space<hbm>> -> memref<1000000x32xf32, #tpu.memory_space<hbm>>
    tpu.enqueue_indirect_dma source(%dma_start3A_107 : memref<1000000x32xf32, #tpu.memory_space<hbm>>) target(%dma_start3A_101 : memref<128x32xf32, #tpu.memory_space<vmem>>) offsets(%dma_start3A_104 : memref<128xi32, #tpu.memory_space<vmem>>) semaphore(%arg16 : memref<!tpu.dma_semaphore, #tpu.memory_space<semaphore_mem>>)
    %dma_start3A_108 = arith.constant 0 : i32
    %dma_start3A_109 = arith.constant 2 : i32
    %dma_start3A_110 = arith.constant 256 : i32
    %dma_start3A_111 = tpu.memref_slice %arg13[%dma_start3A_110] : memref<512xf32, #tpu.memory_space<vmem>> -> memref<128xf32, #tpu.memory_space<vmem>>
    %dma_start3A_112 = arith.constant 0 : i32
    %dma_start3A_113 = tpu.memref_slice %arg9[%dma_start3A_109, %dma_start3A_112] : memref<4x128xi32, #tpu.memory_space<vmem>> -> memref<1x128xi32, #tpu.memory_space<vmem>>
    %dma_start3A_114 = tpu.memref_squeeze %dma_start3A_113 : memref<1x128xi32, #tpu.memory_space<vmem>> -> memref<128xi32, #tpu.memory_space<vmem>>
    %dma_start3A_115 = arith.constant 0 : i32
    %dma_start3A_116 = tpu.memref_slice %arg5[%dma_start3A_108, %dma_start3A_115] : memref<1x1000000xf32, #tpu.memory_space<hbm>> -> memref<1x1000000xf32, #tpu.memory_space<hbm>>
    %dma_start3A_117 = tpu.memref_squeeze %dma_start3A_116 : memref<1x1000000xf32, #tpu.memory_space<hbm>> -> memref<1000000xf32, #tpu.memory_space<hbm>>
    %dma_start3A_118 = arith.constant 0 : i32
    %dma_start3A_119 = tpu.memref_slice %dma_start3A_117[%dma_start3A_118] : memref<1000000xf32, #tpu.memory_space<hbm>> -> memref<1000000xf32, #tpu.memory_space<hbm>>
    tpu.enqueue_indirect_dma source(%dma_start3A_119 : memref<1000000xf32, #tpu.memory_space<hbm>>) target(%dma_start3A_111 : memref<128xf32, #tpu.memory_space<vmem>>) offsets(%dma_start3A_114 : memref<128xi32, #tpu.memory_space<vmem>>) semaphore(%arg16 : memref<!tpu.dma_semaphore, #tpu.memory_space<semaphore_mem>>)
    %dma_start3A_120 = arith.constant 0 : i32
    %dma_start3A_121 = arith.constant 2 : i32
    %dma_start3A_122 = arith.constant 256 : i32
    %dma_start3A_123 = tpu.memref_slice %arg14[%dma_start3A_122] : memref<512xf32, #tpu.memory_space<vmem>> -> memref<128xf32, #tpu.memory_space<vmem>>
    %dma_start3A_124 = arith.constant 0 : i32
    %dma_start3A_125 = tpu.memref_slice %arg10[%dma_start3A_121, %dma_start3A_124] : memref<4x128xi32, #tpu.memory_space<vmem>> -> memref<1x128xi32, #tpu.memory_space<vmem>>
    %dma_start3A_126 = tpu.memref_squeeze %dma_start3A_125 : memref<1x128xi32, #tpu.memory_space<vmem>> -> memref<128xi32, #tpu.memory_space<vmem>>
    %dma_start3A_127 = arith.constant 0 : i32
    %dma_start3A_128 = tpu.memref_slice %arg7[%dma_start3A_120, %dma_start3A_127] : memref<1x1000000xf32, #tpu.memory_space<hbm>> -> memref<1x1000000xf32, #tpu.memory_space<hbm>>
    %dma_start3A_129 = tpu.memref_squeeze %dma_start3A_128 : memref<1x1000000xf32, #tpu.memory_space<hbm>> -> memref<1000000xf32, #tpu.memory_space<hbm>>
    %dma_start3A_130 = arith.constant 0 : i32
    %dma_start3A_131 = tpu.memref_slice %dma_start3A_129[%dma_start3A_130] : memref<1000000xf32, #tpu.memory_space<hbm>> -> memref<1000000xf32, #tpu.memory_space<hbm>>
    tpu.enqueue_indirect_dma source(%dma_start3A_131 : memref<1000000xf32, #tpu.memory_space<hbm>>) target(%dma_start3A_123 : memref<128xf32, #tpu.memory_space<vmem>>) offsets(%dma_start3A_126 : memref<128xi32, #tpu.memory_space<vmem>>) semaphore(%arg16 : memref<!tpu.dma_semaphore, #tpu.memory_space<semaphore_mem>>)
    %dma_start3A_132 = arith.constant 3 : i32
    %dma_start3A_133 = arith.constant 384 : i32
    %dma_start3A_134 = arith.constant 0 : i32
    %dma_start3A_135 = tpu.memref_slice %arg11[%dma_start3A_133, %dma_start3A_134] : memref<512x32xf32, #tpu.memory_space<vmem>> -> memref<128x32xf32, #tpu.memory_space<vmem>>
    %dma_start3A_136 = arith.constant 0 : i32
    %dma_start3A_137 = tpu.memref_slice %arg9[%dma_start3A_132, %dma_start3A_136] : memref<4x128xi32, #tpu.memory_space<vmem>> -> memref<1x128xi32, #tpu.memory_space<vmem>>
    %dma_start3A_138 = tpu.memref_squeeze %dma_start3A_137 : memref<1x128xi32, #tpu.memory_space<vmem>> -> memref<128xi32, #tpu.memory_space<vmem>>
    %dma_start3A_139 = arith.constant 0 : i32
    %dma_start3A_140 = arith.constant 0 : i32
    %dma_start3A_141 = tpu.memref_slice %arg4[%dma_start3A_139, %dma_start3A_140] : memref<1000000x32xf32, #tpu.memory_space<hbm>> -> memref<1000000x32xf32, #tpu.memory_space<hbm>>
    tpu.enqueue_indirect_dma source(%dma_start3A_141 : memref<1000000x32xf32, #tpu.memory_space<hbm>>) target(%dma_start3A_135 : memref<128x32xf32, #tpu.memory_space<vmem>>) offsets(%dma_start3A_138 : memref<128xi32, #tpu.memory_space<vmem>>) semaphore(%arg16 : memref<!tpu.dma_semaphore, #tpu.memory_space<semaphore_mem>>)
    %dma_start3A_142 = arith.constant 3 : i32
    %dma_start3A_143 = arith.constant 384 : i32
    %dma_start3A_144 = arith.constant 0 : i32
    %dma_start3A_145 = tpu.memref_slice %arg12[%dma_start3A_143, %dma_start3A_144] : memref<512x32xf32, #tpu.memory_space<vmem>> -> memref<128x32xf32, #tpu.memory_space<vmem>>
    %dma_start3A_146 = arith.constant 0 : i32
    %dma_start3A_147 = tpu.memref_slice %arg10[%dma_start3A_142, %dma_start3A_146] : memref<4x128xi32, #tpu.memory_space<vmem>> -> memref<1x128xi32, #tpu.memory_space<vmem>>
    %dma_start3A_148 = tpu.memref_squeeze %dma_start3A_147 : memref<1x128xi32, #tpu.memory_space<vmem>> -> memref<128xi32, #tpu.memory_space<vmem>>
    %dma_start3A_149 = arith.constant 0 : i32
    %dma_start3A_150 = arith.constant 0 : i32
    %dma_start3A_151 = tpu.memref_slice %arg6[%dma_start3A_149, %dma_start3A_150] : memref<1000000x32xf32, #tpu.memory_space<hbm>> -> memref<1000000x32xf32, #tpu.memory_space<hbm>>
    tpu.enqueue_indirect_dma source(%dma_start3A_151 : memref<1000000x32xf32, #tpu.memory_space<hbm>>) target(%dma_start3A_145 : memref<128x32xf32, #tpu.memory_space<vmem>>) offsets(%dma_start3A_148 : memref<128xi32, #tpu.memory_space<vmem>>) semaphore(%arg16 : memref<!tpu.dma_semaphore, #tpu.memory_space<semaphore_mem>>)
    %dma_start3A_152 = arith.constant 0 : i32
    %dma_start3A_153 = arith.constant 3 : i32
    %dma_start3A_154 = arith.constant 384 : i32
    %dma_start3A_155 = tpu.memref_slice %arg13[%dma_start3A_154] : memref<512xf32, #tpu.memory_space<vmem>> -> memref<128xf32, #tpu.memory_space<vmem>>
    %dma_start3A_156 = arith.constant 0 : i32
    %dma_start3A_157 = tpu.memref_slice %arg9[%dma_start3A_153, %dma_start3A_156] : memref<4x128xi32, #tpu.memory_space<vmem>> -> memref<1x128xi32, #tpu.memory_space<vmem>>
    %dma_start3A_158 = tpu.memref_squeeze %dma_start3A_157 : memref<1x128xi32, #tpu.memory_space<vmem>> -> memref<128xi32, #tpu.memory_space<vmem>>
    %dma_start3A_159 = arith.constant 0 : i32
    %dma_start3A_160 = tpu.memref_slice %arg5[%dma_start3A_152, %dma_start3A_159] : memref<1x1000000xf32, #tpu.memory_space<hbm>> -> memref<1x1000000xf32, #tpu.memory_space<hbm>>
    %dma_start3A_161 = tpu.memref_squeeze %dma_start3A_160 : memref<1x1000000xf32, #tpu.memory_space<hbm>> -> memref<1000000xf32, #tpu.memory_space<hbm>>
    %dma_start3A_162 = arith.constant 0 : i32
    %dma_start3A_163 = tpu.memref_slice %dma_start3A_161[%dma_start3A_162] : memref<1000000xf32, #tpu.memory_space<hbm>> -> memref<1000000xf32, #tpu.memory_space<hbm>>
    tpu.enqueue_indirect_dma source(%dma_start3A_163 : memref<1000000xf32, #tpu.memory_space<hbm>>) target(%dma_start3A_155 : memref<128xf32, #tpu.memory_space<vmem>>) offsets(%dma_start3A_158 : memref<128xi32, #tpu.memory_space<vmem>>) semaphore(%arg16 : memref<!tpu.dma_semaphore, #tpu.memory_space<semaphore_mem>>)
    %dma_start3A_164 = arith.constant 0 : i32
    %dma_start3A_165 = arith.constant 3 : i32
    %dma_start3A_166 = arith.constant 384 : i32
    %dma_start3A_167 = tpu.memref_slice %arg14[%dma_start3A_166] : memref<512xf32, #tpu.memory_space<vmem>> -> memref<128xf32, #tpu.memory_space<vmem>>
    %dma_start3A_168 = arith.constant 0 : i32
    %dma_start3A_169 = tpu.memref_slice %arg10[%dma_start3A_165, %dma_start3A_168] : memref<4x128xi32, #tpu.memory_space<vmem>> -> memref<1x128xi32, #tpu.memory_space<vmem>>
    %dma_start3A_170 = tpu.memref_squeeze %dma_start3A_169 : memref<1x128xi32, #tpu.memory_space<vmem>> -> memref<128xi32, #tpu.memory_space<vmem>>
    %dma_start3A_171 = arith.constant 0 : i32
    %dma_start3A_172 = tpu.memref_slice %arg7[%dma_start3A_164, %dma_start3A_171] : memref<1x1000000xf32, #tpu.memory_space<hbm>> -> memref<1x1000000xf32, #tpu.memory_space<hbm>>
    %dma_start3A_173 = tpu.memref_squeeze %dma_start3A_172 : memref<1x1000000xf32, #tpu.memory_space<hbm>> -> memref<1000000xf32, #tpu.memory_space<hbm>>
    %dma_start3A_174 = arith.constant 0 : i32
    %dma_start3A_175 = tpu.memref_slice %dma_start3A_173[%dma_start3A_174] : memref<1000000xf32, #tpu.memory_space<hbm>> -> memref<1000000xf32, #tpu.memory_space<hbm>>
    tpu.enqueue_indirect_dma source(%dma_start3A_175 : memref<1000000xf32, #tpu.memory_space<hbm>>) target(%dma_start3A_167 : memref<128xf32, #tpu.memory_space<vmem>>) offsets(%dma_start3A_170 : memref<128xi32, #tpu.memory_space<vmem>>) semaphore(%arg16 : memref<!tpu.dma_semaphore, #tpu.memory_space<semaphore_mem>>)
    %dma_wait3A = arith.constant 0 : i32
    %dma_wait3A_176 = arith.constant 0 : i32
    %dma_wait3A_177 = arith.constant 0 : i32
    %dma_wait3A_178 = tpu.memref_slice %arg11[%dma_wait3A_176, %dma_wait3A_177] : memref<512x32xf32, #tpu.memory_space<vmem>> -> memref<128x32xf32, #tpu.memory_space<vmem>>
    %dma_wait3A_179 = arith.constant 0 : i32
    %dma_wait3A_180 = tpu.memref_slice %arg9[%dma_wait3A, %dma_wait3A_179] : memref<4x128xi32, #tpu.memory_space<vmem>> -> memref<1x128xi32, #tpu.memory_space<vmem>>
    %dma_wait3A_181 = tpu.memref_squeeze %dma_wait3A_180 : memref<1x128xi32, #tpu.memory_space<vmem>> -> memref<128xi32, #tpu.memory_space<vmem>>
    %dma_wait3A_182 = arith.constant 0 : i32
    %dma_wait3A_183 = arith.constant 0 : i32
    %dma_wait3A_184 = tpu.memref_slice %arg4[%dma_wait3A_182, %dma_wait3A_183] : memref<1000000x32xf32, #tpu.memory_space<hbm>> -> memref<1000000x32xf32, #tpu.memory_space<hbm>>
    tpu.wait_indirect_dma semaphore(%arg16 : memref<!tpu.dma_semaphore, #tpu.memory_space<semaphore_mem>>) src(%dma_wait3A_184 : memref<1000000x32xf32, #tpu.memory_space<hbm>>) dst(%dma_wait3A_178 : memref<128x32xf32, #tpu.memory_space<vmem>>)
    %dma_wait3A_185 = arith.constant 0 : i32
    %dma_wait3A_186 = arith.constant 0 : i32
    %dma_wait3A_187 = arith.constant 0 : i32
    %dma_wait3A_188 = tpu.memref_slice %arg12[%dma_wait3A_186, %dma_wait3A_187] : memref<512x32xf32, #tpu.memory_space<vmem>> -> memref<128x32xf32, #tpu.memory_space<vmem>>
    %dma_wait3A_189 = arith.constant 0 : i32
    %dma_wait3A_190 = tpu.memref_slice %arg10[%dma_wait3A_185, %dma_wait3A_189] : memref<4x128xi32, #tpu.memory_space<vmem>> -> memref<1x128xi32, #tpu.memory_space<vmem>>
    %dma_wait3A_191 = tpu.memref_squeeze %dma_wait3A_190 : memref<1x128xi32, #tpu.memory_space<vmem>> -> memref<128xi32, #tpu.memory_space<vmem>>
    %dma_wait3A_192 = arith.constant 0 : i32
    %dma_wait3A_193 = arith.constant 0 : i32
    %dma_wait3A_194 = tpu.memref_slice %arg6[%dma_wait3A_192, %dma_wait3A_193] : memref<1000000x32xf32, #tpu.memory_space<hbm>> -> memref<1000000x32xf32, #tpu.memory_space<hbm>>
    tpu.wait_indirect_dma semaphore(%arg16 : memref<!tpu.dma_semaphore, #tpu.memory_space<semaphore_mem>>) src(%dma_wait3A_194 : memref<1000000x32xf32, #tpu.memory_space<hbm>>) dst(%dma_wait3A_188 : memref<128x32xf32, #tpu.memory_space<vmem>>)
    %dma_wait3A_195 = arith.constant 0 : i32
    %dma_wait3A_196 = arith.constant 0 : i32
    %dma_wait3A_197 = arith.constant 0 : i32
    %dma_wait3A_198 = tpu.memref_slice %arg13[%dma_wait3A_197] : memref<512xf32, #tpu.memory_space<vmem>> -> memref<128xf32, #tpu.memory_space<vmem>>
    %dma_wait3A_199 = arith.constant 0 : i32
    %dma_wait3A_200 = tpu.memref_slice %arg9[%dma_wait3A_196, %dma_wait3A_199] : memref<4x128xi32, #tpu.memory_space<vmem>> -> memref<1x128xi32, #tpu.memory_space<vmem>>
    %dma_wait3A_201 = tpu.memref_squeeze %dma_wait3A_200 : memref<1x128xi32, #tpu.memory_space<vmem>> -> memref<128xi32, #tpu.memory_space<vmem>>
    %dma_wait3A_202 = arith.constant 0 : i32
    %dma_wait3A_203 = tpu.memref_slice %arg5[%dma_wait3A_195, %dma_wait3A_202] : memref<1x1000000xf32, #tpu.memory_space<hbm>> -> memref<1x1000000xf32, #tpu.memory_space<hbm>>
    %dma_wait3A_204 = tpu.memref_squeeze %dma_wait3A_203 : memref<1x1000000xf32, #tpu.memory_space<hbm>> -> memref<1000000xf32, #tpu.memory_space<hbm>>
    %dma_wait3A_205 = arith.constant 0 : i32
    %dma_wait3A_206 = tpu.memref_slice %dma_wait3A_204[%dma_wait3A_205] : memref<1000000xf32, #tpu.memory_space<hbm>> -> memref<1000000xf32, #tpu.memory_space<hbm>>
    tpu.wait_indirect_dma semaphore(%arg16 : memref<!tpu.dma_semaphore, #tpu.memory_space<semaphore_mem>>) src(%dma_wait3A_206 : memref<1000000xf32, #tpu.memory_space<hbm>>) dst(%dma_wait3A_198 : memref<128xf32, #tpu.memory_space<vmem>>)
    %dma_wait3A_207 = arith.constant 0 : i32
    %dma_wait3A_208 = arith.constant 0 : i32
    %dma_wait3A_209 = arith.constant 0 : i32
    %dma_wait3A_210 = tpu.memref_slice %arg14[%dma_wait3A_209] : memref<512xf32, #tpu.memory_space<vmem>> -> memref<128xf32, #tpu.memory_space<vmem>>
    %dma_wait3A_211 = arith.constant 0 : i32
    %dma_wait3A_212 = tpu.memref_slice %arg10[%dma_wait3A_208, %dma_wait3A_211] : memref<4x128xi32, #tpu.memory_space<vmem>> -> memref<1x128xi32, #tpu.memory_space<vmem>>
    %dma_wait3A_213 = tpu.memref_squeeze %dma_wait3A_212 : memref<1x128xi32, #tpu.memory_space<vmem>> -> memref<128xi32, #tpu.memory_space<vmem>>
    %dma_wait3A_214 = arith.constant 0 : i32
    %dma_wait3A_215 = tpu.memref_slice %arg7[%dma_wait3A_207, %dma_wait3A_214] : memref<1x1000000xf32, #tpu.memory_space<hbm>> -> memref<1x1000000xf32, #tpu.memory_space<hbm>>
    %dma_wait3A_216 = tpu.memref_squeeze %dma_wait3A_215 : memref<1x1000000xf32, #tpu.memory_space<hbm>> -> memref<1000000xf32, #tpu.memory_space<hbm>>
    %dma_wait3A_217 = arith.constant 0 : i32
    %dma_wait3A_218 = tpu.memref_slice %dma_wait3A_216[%dma_wait3A_217] : memref<1000000xf32, #tpu.memory_space<hbm>> -> memref<1000000xf32, #tpu.memory_space<hbm>>
    tpu.wait_indirect_dma semaphore(%arg16 : memref<!tpu.dma_semaphore, #tpu.memory_space<semaphore_mem>>) src(%dma_wait3A_218 : memref<1000000xf32, #tpu.memory_space<hbm>>) dst(%dma_wait3A_210 : memref<128xf32, #tpu.memory_space<vmem>>)
    %dma_wait3A_219 = arith.constant 1 : i32
    %dma_wait3A_220 = arith.constant 128 : i32
    %dma_wait3A_221 = arith.constant 0 : i32
    %dma_wait3A_222 = tpu.memref_slice %arg11[%dma_wait3A_220, %dma_wait3A_221] : memref<512x32xf32, #tpu.memory_space<vmem>> -> memref<128x32xf32, #tpu.memory_space<vmem>>
    %dma_wait3A_223 = arith.constant 0 : i32
    %dma_wait3A_224 = tpu.memref_slice %arg9[%dma_wait3A_219, %dma_wait3A_223] : memref<4x128xi32, #tpu.memory_space<vmem>> -> memref<1x128xi32, #tpu.memory_space<vmem>>
    %dma_wait3A_225 = tpu.memref_squeeze %dma_wait3A_224 : memref<1x128xi32, #tpu.memory_space<vmem>> -> memref<128xi32, #tpu.memory_space<vmem>>
    %dma_wait3A_226 = arith.constant 0 : i32
    %dma_wait3A_227 = arith.constant 0 : i32
    %dma_wait3A_228 = tpu.memref_slice %arg4[%dma_wait3A_226, %dma_wait3A_227] : memref<1000000x32xf32, #tpu.memory_space<hbm>> -> memref<1000000x32xf32, #tpu.memory_space<hbm>>
    tpu.wait_indirect_dma semaphore(%arg16 : memref<!tpu.dma_semaphore, #tpu.memory_space<semaphore_mem>>) src(%dma_wait3A_228 : memref<1000000x32xf32, #tpu.memory_space<hbm>>) dst(%dma_wait3A_222 : memref<128x32xf32, #tpu.memory_space<vmem>>)
    %dma_wait3A_229 = arith.constant 1 : i32
    %dma_wait3A_230 = arith.constant 128 : i32
    %dma_wait3A_231 = arith.constant 0 : i32
    %dma_wait3A_232 = tpu.memref_slice %arg12[%dma_wait3A_230, %dma_wait3A_231] : memref<512x32xf32, #tpu.memory_space<vmem>> -> memref<128x32xf32, #tpu.memory_space<vmem>>
    %dma_wait3A_233 = arith.constant 0 : i32
    %dma_wait3A_234 = tpu.memref_slice %arg10[%dma_wait3A_229, %dma_wait3A_233] : memref<4x128xi32, #tpu.memory_space<vmem>> -> memref<1x128xi32, #tpu.memory_space<vmem>>
    %dma_wait3A_235 = tpu.memref_squeeze %dma_wait3A_234 : memref<1x128xi32, #tpu.memory_space<vmem>> -> memref<128xi32, #tpu.memory_space<vmem>>
    %dma_wait3A_236 = arith.constant 0 : i32
    %dma_wait3A_237 = arith.constant 0 : i32
    %dma_wait3A_238 = tpu.memref_slice %arg6[%dma_wait3A_236, %dma_wait3A_237] : memref<1000000x32xf32, #tpu.memory_space<hbm>> -> memref<1000000x32xf32, #tpu.memory_space<hbm>>
    tpu.wait_indirect_dma semaphore(%arg16 : memref<!tpu.dma_semaphore, #tpu.memory_space<semaphore_mem>>) src(%dma_wait3A_238 : memref<1000000x32xf32, #tpu.memory_space<hbm>>) dst(%dma_wait3A_232 : memref<128x32xf32, #tpu.memory_space<vmem>>)
    %dma_wait3A_239 = arith.constant 0 : i32
    %dma_wait3A_240 = arith.constant 1 : i32
    %dma_wait3A_241 = arith.constant 128 : i32
    %dma_wait3A_242 = tpu.memref_slice %arg13[%dma_wait3A_241] : memref<512xf32, #tpu.memory_space<vmem>> -> memref<128xf32, #tpu.memory_space<vmem>>
    %dma_wait3A_243 = arith.constant 0 : i32
    %dma_wait3A_244 = tpu.memref_slice %arg9[%dma_wait3A_240, %dma_wait3A_243] : memref<4x128xi32, #tpu.memory_space<vmem>> -> memref<1x128xi32, #tpu.memory_space<vmem>>
    %dma_wait3A_245 = tpu.memref_squeeze %dma_wait3A_244 : memref<1x128xi32, #tpu.memory_space<vmem>> -> memref<128xi32, #tpu.memory_space<vmem>>
    %dma_wait3A_246 = arith.constant 0 : i32
    %dma_wait3A_247 = tpu.memref_slice %arg5[%dma_wait3A_239, %dma_wait3A_246] : memref<1x1000000xf32, #tpu.memory_space<hbm>> -> memref<1x1000000xf32, #tpu.memory_space<hbm>>
    %dma_wait3A_248 = tpu.memref_squeeze %dma_wait3A_247 : memref<1x1000000xf32, #tpu.memory_space<hbm>> -> memref<1000000xf32, #tpu.memory_space<hbm>>
    %dma_wait3A_249 = arith.constant 0 : i32
    %dma_wait3A_250 = tpu.memref_slice %dma_wait3A_248[%dma_wait3A_249] : memref<1000000xf32, #tpu.memory_space<hbm>> -> memref<1000000xf32, #tpu.memory_space<hbm>>
    tpu.wait_indirect_dma semaphore(%arg16 : memref<!tpu.dma_semaphore, #tpu.memory_space<semaphore_mem>>) src(%dma_wait3A_250 : memref<1000000xf32, #tpu.memory_space<hbm>>) dst(%dma_wait3A_242 : memref<128xf32, #tpu.memory_space<vmem>>)
    %dma_wait3A_251 = arith.constant 0 : i32
    %dma_wait3A_252 = arith.constant 1 : i32
    %dma_wait3A_253 = arith.constant 128 : i32
    %dma_wait3A_254 = tpu.memref_slice %arg14[%dma_wait3A_253] : memref<512xf32, #tpu.memory_space<vmem>> -> memref<128xf32, #tpu.memory_space<vmem>>
    %dma_wait3A_255 = arith.constant 0 : i32
    %dma_wait3A_256 = tpu.memref_slice %arg10[%dma_wait3A_252, %dma_wait3A_255] : memref<4x128xi32, #tpu.memory_space<vmem>> -> memref<1x128xi32, #tpu.memory_space<vmem>>
    %dma_wait3A_257 = tpu.memref_squeeze %dma_wait3A_256 : memref<1x128xi32, #tpu.memory_space<vmem>> -> memref<128xi32, #tpu.memory_space<vmem>>
    %dma_wait3A_258 = arith.constant 0 : i32
    %dma_wait3A_259 = tpu.memref_slice %arg7[%dma_wait3A_251, %dma_wait3A_258] : memref<1x1000000xf32, #tpu.memory_space<hbm>> -> memref<1x1000000xf32, #tpu.memory_space<hbm>>
    %dma_wait3A_260 = tpu.memref_squeeze %dma_wait3A_259 : memref<1x1000000xf32, #tpu.memory_space<hbm>> -> memref<1000000xf32, #tpu.memory_space<hbm>>
    %dma_wait3A_261 = arith.constant 0 : i32
    %dma_wait3A_262 = tpu.memref_slice %dma_wait3A_260[%dma_wait3A_261] : memref<1000000xf32, #tpu.memory_space<hbm>> -> memref<1000000xf32, #tpu.memory_space<hbm>>
    tpu.wait_indirect_dma semaphore(%arg16 : memref<!tpu.dma_semaphore, #tpu.memory_space<semaphore_mem>>) src(%dma_wait3A_262 : memref<1000000xf32, #tpu.memory_space<hbm>>) dst(%dma_wait3A_254 : memref<128xf32, #tpu.memory_space<vmem>>)
    %dma_wait3A_263 = arith.constant 2 : i32
    %dma_wait3A_264 = arith.constant 256 : i32
    %dma_wait3A_265 = arith.constant 0 : i32
    %dma_wait3A_266 = tpu.memref_slice %arg11[%dma_wait3A_264, %dma_wait3A_265] : memref<512x32xf32, #tpu.memory_space<vmem>> -> memref<128x32xf32, #tpu.memory_space<vmem>>
    %dma_wait3A_267 = arith.constant 0 : i32
    %dma_wait3A_268 = tpu.memref_slice %arg9[%dma_wait3A_263, %dma_wait3A_267] : memref<4x128xi32, #tpu.memory_space<vmem>> -> memref<1x128xi32, #tpu.memory_space<vmem>>
    %dma_wait3A_269 = tpu.memref_squeeze %dma_wait3A_268 : memref<1x128xi32, #tpu.memory_space<vmem>> -> memref<128xi32, #tpu.memory_space<vmem>>
    %dma_wait3A_270 = arith.constant 0 : i32
    %dma_wait3A_271 = arith.constant 0 : i32
    %dma_wait3A_272 = tpu.memref_slice %arg4[%dma_wait3A_270, %dma_wait3A_271] : memref<1000000x32xf32, #tpu.memory_space<hbm>> -> memref<1000000x32xf32, #tpu.memory_space<hbm>>
    tpu.wait_indirect_dma semaphore(%arg16 : memref<!tpu.dma_semaphore, #tpu.memory_space<semaphore_mem>>) src(%dma_wait3A_272 : memref<1000000x32xf32, #tpu.memory_space<hbm>>) dst(%dma_wait3A_266 : memref<128x32xf32, #tpu.memory_space<vmem>>)
    %dma_wait3A_273 = arith.constant 2 : i32
    %dma_wait3A_274 = arith.constant 256 : i32
    %dma_wait3A_275 = arith.constant 0 : i32
    %dma_wait3A_276 = tpu.memref_slice %arg12[%dma_wait3A_274, %dma_wait3A_275] : memref<512x32xf32, #tpu.memory_space<vmem>> -> memref<128x32xf32, #tpu.memory_space<vmem>>
    %dma_wait3A_277 = arith.constant 0 : i32
    %dma_wait3A_278 = tpu.memref_slice %arg10[%dma_wait3A_273, %dma_wait3A_277] : memref<4x128xi32, #tpu.memory_space<vmem>> -> memref<1x128xi32, #tpu.memory_space<vmem>>
    %dma_wait3A_279 = tpu.memref_squeeze %dma_wait3A_278 : memref<1x128xi32, #tpu.memory_space<vmem>> -> memref<128xi32, #tpu.memory_space<vmem>>
    %dma_wait3A_280 = arith.constant 0 : i32
    %dma_wait3A_281 = arith.constant 0 : i32
    %dma_wait3A_282 = tpu.memref_slice %arg6[%dma_wait3A_280, %dma_wait3A_281] : memref<1000000x32xf32, #tpu.memory_space<hbm>> -> memref<1000000x32xf32, #tpu.memory_space<hbm>>
    tpu.wait_indirect_dma semaphore(%arg16 : memref<!tpu.dma_semaphore, #tpu.memory_space<semaphore_mem>>) src(%dma_wait3A_282 : memref<1000000x32xf32, #tpu.memory_space<hbm>>) dst(%dma_wait3A_276 : memref<128x32xf32, #tpu.memory_space<vmem>>)
    %dma_wait3A_283 = arith.constant 0 : i32
    %dma_wait3A_284 = arith.constant 2 : i32
    %dma_wait3A_285 = arith.constant 256 : i32
    %dma_wait3A_286 = tpu.memref_slice %arg13[%dma_wait3A_285] : memref<512xf32, #tpu.memory_space<vmem>> -> memref<128xf32, #tpu.memory_space<vmem>>
    %dma_wait3A_287 = arith.constant 0 : i32
    %dma_wait3A_288 = tpu.memref_slice %arg9[%dma_wait3A_284, %dma_wait3A_287] : memref<4x128xi32, #tpu.memory_space<vmem>> -> memref<1x128xi32, #tpu.memory_space<vmem>>
    %dma_wait3A_289 = tpu.memref_squeeze %dma_wait3A_288 : memref<1x128xi32, #tpu.memory_space<vmem>> -> memref<128xi32, #tpu.memory_space<vmem>>
    %dma_wait3A_290 = arith.constant 0 : i32
    %dma_wait3A_291 = tpu.memref_slice %arg5[%dma_wait3A_283, %dma_wait3A_290] : memref<1x1000000xf32, #tpu.memory_space<hbm>> -> memref<1x1000000xf32, #tpu.memory_space<hbm>>
    %dma_wait3A_292 = tpu.memref_squeeze %dma_wait3A_291 : memref<1x1000000xf32, #tpu.memory_space<hbm>> -> memref<1000000xf32, #tpu.memory_space<hbm>>
    %dma_wait3A_293 = arith.constant 0 : i32
    %dma_wait3A_294 = tpu.memref_slice %dma_wait3A_292[%dma_wait3A_293] : memref<1000000xf32, #tpu.memory_space<hbm>> -> memref<1000000xf32, #tpu.memory_space<hbm>>
    tpu.wait_indirect_dma semaphore(%arg16 : memref<!tpu.dma_semaphore, #tpu.memory_space<semaphore_mem>>) src(%dma_wait3A_294 : memref<1000000xf32, #tpu.memory_space<hbm>>) dst(%dma_wait3A_286 : memref<128xf32, #tpu.memory_space<vmem>>)
    %dma_wait3A_295 = arith.constant 0 : i32
    %dma_wait3A_296 = arith.constant 2 : i32
    %dma_wait3A_297 = arith.constant 256 : i32
    %dma_wait3A_298 = tpu.memref_slice %arg14[%dma_wait3A_297] : memref<512xf32, #tpu.memory_space<vmem>> -> memref<128xf32, #tpu.memory_space<vmem>>
    %dma_wait3A_299 = arith.constant 0 : i32
    %dma_wait3A_300 = tpu.memref_slice %arg10[%dma_wait3A_296, %dma_wait3A_299] : memref<4x128xi32, #tpu.memory_space<vmem>> -> memref<1x128xi32, #tpu.memory_space<vmem>>
    %dma_wait3A_301 = tpu.memref_squeeze %dma_wait3A_300 : memref<1x128xi32, #tpu.memory_space<vmem>> -> memref<128xi32, #tpu.memory_space<vmem>>
    %dma_wait3A_302 = arith.constant 0 : i32
    %dma_wait3A_303 = tpu.memref_slice %arg7[%dma_wait3A_295, %dma_wait3A_302] : memref<1x1000000xf32, #tpu.memory_space<hbm>> -> memref<1x1000000xf32, #tpu.memory_space<hbm>>
    %dma_wait3A_304 = tpu.memref_squeeze %dma_wait3A_303 : memref<1x1000000xf32, #tpu.memory_space<hbm>> -> memref<1000000xf32, #tpu.memory_space<hbm>>
    %dma_wait3A_305 = arith.constant 0 : i32
    %dma_wait3A_306 = tpu.memref_slice %dma_wait3A_304[%dma_wait3A_305] : memref<1000000xf32, #tpu.memory_space<hbm>> -> memref<1000000xf32, #tpu.memory_space<hbm>>
    tpu.wait_indirect_dma semaphore(%arg16 : memref<!tpu.dma_semaphore, #tpu.memory_space<semaphore_mem>>) src(%dma_wait3A_306 : memref<1000000xf32, #tpu.memory_space<hbm>>) dst(%dma_wait3A_298 : memref<128xf32, #tpu.memory_space<vmem>>)
    %dma_wait3A_307 = arith.constant 3 : i32
    %dma_wait3A_308 = arith.constant 384 : i32
    %dma_wait3A_309 = arith.constant 0 : i32
    %dma_wait3A_310 = tpu.memref_slice %arg11[%dma_wait3A_308, %dma_wait3A_309] : memref<512x32xf32, #tpu.memory_space<vmem>> -> memref<128x32xf32, #tpu.memory_space<vmem>>
    %dma_wait3A_311 = arith.constant 0 : i32
    %dma_wait3A_312 = tpu.memref_slice %arg9[%dma_wait3A_307, %dma_wait3A_311] : memref<4x128xi32, #tpu.memory_space<vmem>> -> memref<1x128xi32, #tpu.memory_space<vmem>>
    %dma_wait3A_313 = tpu.memref_squeeze %dma_wait3A_312 : memref<1x128xi32, #tpu.memory_space<vmem>> -> memref<128xi32, #tpu.memory_space<vmem>>
    %dma_wait3A_314 = arith.constant 0 : i32
    %dma_wait3A_315 = arith.constant 0 : i32
    %dma_wait3A_316 = tpu.memref_slice %arg4[%dma_wait3A_314, %dma_wait3A_315] : memref<1000000x32xf32, #tpu.memory_space<hbm>> -> memref<1000000x32xf32, #tpu.memory_space<hbm>>
    tpu.wait_indirect_dma semaphore(%arg16 : memref<!tpu.dma_semaphore, #tpu.memory_space<semaphore_mem>>) src(%dma_wait3A_316 : memref<1000000x32xf32, #tpu.memory_space<hbm>>) dst(%dma_wait3A_310 : memref<128x32xf32, #tpu.memory_space<vmem>>)
    %dma_wait3A_317 = arith.constant 3 : i32
    %dma_wait3A_318 = arith.constant 384 : i32
    %dma_wait3A_319 = arith.constant 0 : i32
    %dma_wait3A_320 = tpu.memref_slice %arg12[%dma_wait3A_318, %dma_wait3A_319] : memref<512x32xf32, #tpu.memory_space<vmem>> -> memref<128x32xf32, #tpu.memory_space<vmem>>
    %dma_wait3A_321 = arith.constant 0 : i32
    %dma_wait3A_322 = tpu.memref_slice %arg10[%dma_wait3A_317, %dma_wait3A_321] : memref<4x128xi32, #tpu.memory_space<vmem>> -> memref<1x128xi32, #tpu.memory_space<vmem>>
    %dma_wait3A_323 = tpu.memref_squeeze %dma_wait3A_322 : memref<1x128xi32, #tpu.memory_space<vmem>> -> memref<128xi32, #tpu.memory_space<vmem>>
    %dma_wait3A_324 = arith.constant 0 : i32
    %dma_wait3A_325 = arith.constant 0 : i32
    %dma_wait3A_326 = tpu.memref_slice %arg6[%dma_wait3A_324, %dma_wait3A_325] : memref<1000000x32xf32, #tpu.memory_space<hbm>> -> memref<1000000x32xf32, #tpu.memory_space<hbm>>
    tpu.wait_indirect_dma semaphore(%arg16 : memref<!tpu.dma_semaphore, #tpu.memory_space<semaphore_mem>>) src(%dma_wait3A_326 : memref<1000000x32xf32, #tpu.memory_space<hbm>>) dst(%dma_wait3A_320 : memref<128x32xf32, #tpu.memory_space<vmem>>)
    %dma_wait3A_327 = arith.constant 0 : i32
    %dma_wait3A_328 = arith.constant 3 : i32
    %dma_wait3A_329 = arith.constant 384 : i32
    %dma_wait3A_330 = tpu.memref_slice %arg13[%dma_wait3A_329] : memref<512xf32, #tpu.memory_space<vmem>> -> memref<128xf32, #tpu.memory_space<vmem>>
    %dma_wait3A_331 = arith.constant 0 : i32
    %dma_wait3A_332 = tpu.memref_slice %arg9[%dma_wait3A_328, %dma_wait3A_331] : memref<4x128xi32, #tpu.memory_space<vmem>> -> memref<1x128xi32, #tpu.memory_space<vmem>>
    %dma_wait3A_333 = tpu.memref_squeeze %dma_wait3A_332 : memref<1x128xi32, #tpu.memory_space<vmem>> -> memref<128xi32, #tpu.memory_space<vmem>>
    %dma_wait3A_334 = arith.constant 0 : i32
    %dma_wait3A_335 = tpu.memref_slice %arg5[%dma_wait3A_327, %dma_wait3A_334] : memref<1x1000000xf32, #tpu.memory_space<hbm>> -> memref<1x1000000xf32, #tpu.memory_space<hbm>>
    %dma_wait3A_336 = tpu.memref_squeeze %dma_wait3A_335 : memref<1x1000000xf32, #tpu.memory_space<hbm>> -> memref<1000000xf32, #tpu.memory_space<hbm>>
    %dma_wait3A_337 = arith.constant 0 : i32
    %dma_wait3A_338 = tpu.memref_slice %dma_wait3A_336[%dma_wait3A_337] : memref<1000000xf32, #tpu.memory_space<hbm>> -> memref<1000000xf32, #tpu.memory_space<hbm>>
    tpu.wait_indirect_dma semaphore(%arg16 : memref<!tpu.dma_semaphore, #tpu.memory_space<semaphore_mem>>) src(%dma_wait3A_338 : memref<1000000xf32, #tpu.memory_space<hbm>>) dst(%dma_wait3A_330 : memref<128xf32, #tpu.memory_space<vmem>>)
    %dma_wait3A_339 = arith.constant 0 : i32
    %dma_wait3A_340 = arith.constant 3 : i32
    %dma_wait3A_341 = arith.constant 384 : i32
    %dma_wait3A_342 = tpu.memref_slice %arg14[%dma_wait3A_341] : memref<512xf32, #tpu.memory_space<vmem>> -> memref<128xf32, #tpu.memory_space<vmem>>
    %dma_wait3A_343 = arith.constant 0 : i32
    %dma_wait3A_344 = tpu.memref_slice %arg10[%dma_wait3A_340, %dma_wait3A_343] : memref<4x128xi32, #tpu.memory_space<vmem>> -> memref<1x128xi32, #tpu.memory_space<vmem>>
    %dma_wait3A_345 = tpu.memref_squeeze %dma_wait3A_344 : memref<1x128xi32, #tpu.memory_space<vmem>> -> memref<128xi32, #tpu.memory_space<vmem>>
    %dma_wait3A_346 = arith.constant 0 : i32
    %dma_wait3A_347 = tpu.memref_slice %arg7[%dma_wait3A_339, %dma_wait3A_346] : memref<1x1000000xf32, #tpu.memory_space<hbm>> -> memref<1x1000000xf32, #tpu.memory_space<hbm>>
    %dma_wait3A_348 = tpu.memref_squeeze %dma_wait3A_347 : memref<1x1000000xf32, #tpu.memory_space<hbm>> -> memref<1000000xf32, #tpu.memory_space<hbm>>
    %dma_wait3A_349 = arith.constant 0 : i32
    %dma_wait3A_350 = tpu.memref_slice %dma_wait3A_348[%dma_wait3A_349] : memref<1000000xf32, #tpu.memory_space<hbm>> -> memref<1000000xf32, #tpu.memory_space<hbm>>
    tpu.wait_indirect_dma semaphore(%arg16 : memref<!tpu.dma_semaphore, #tpu.memory_space<semaphore_mem>>) src(%dma_wait3A_350 : memref<1000000xf32, #tpu.memory_space<hbm>>) dst(%dma_wait3A_342 : memref<128xf32, #tpu.memory_space<vmem>>)
    %iota3A = tpu.iota {dimensions = array<i32: 0>} : vector<16xi32>
    %scan3A = arith.constant 0 : i32
    %scan3A_351 = arith.constant 0 : i32
    %scan3A_352 = arith.constant 32 : i32
    %scan3A_353 = arith.addi %scan3A_351, %scan3A_352 : i32
    %scan3A_354 = arith.constant 1 : i32
    scf.for %scan3A_358 = %scan3A_351 to %scan3A_353 step %scan3A_354  : i32 {
      %mul3A_359 = arith.constant 16 : i32
      %mul3A_360 = arith.muli %scan3A_358, %mul3A_359 : i32
      %add3A_361 = vector.broadcast %mul3A_360 : i32 to vector<16xi32>
      %add3A_362 = arith.addi %add3A_361, %iota3A : vector<16xi32>
      %get3A = arith.index_cast %mul3A_360 : i32 to index
      %get3A_363 = tpu.vector_load %arg13[%get3A] {strides = array<i32>} : memref<512xf32, #tpu.memory_space<vmem>>, vector<16xf32>,
      %get3A_364 = arith.index_cast %mul3A_360 : i32 to index
      %get3A_365 = tpu.vector_load %arg14[%get3A_364] {strides = array<i32>} : memref<512xf32, #tpu.memory_space<vmem>>, vector<16xf32>,
      %add3A_366 = arith.addf %get3A_363, %get3A_365 : vector<16xf32>
      %broadcast_in_dim3A = arith.constant 0 : i32
      %broadcast_in_dim3A_367 = vector.broadcast %broadcast_in_dim3A : i32 to vector<16xi32>
      %gather3A = tpu.vector_load_idx %arg11[%add3A_362, %broadcast_in_dim3A_367] : memref<512x32xf32, #tpu.memory_space<vmem>>[vector<16xi32>, vector<16xi32>], vector<16xf32>,
      %gather3A_368 = tpu.vector_load_idx %arg12[%add3A_362, %broadcast_in_dim3A_367] : memref<512x32xf32, #tpu.memory_space<vmem>>[vector<16xi32>, vector<16xi32>], vector<16xf32>,
      %mul3A_369 = arith.mulf %gather3A, %gather3A_368 : vector<16xf32>
      %add3A_370 = arith.addf %add3A_366, %mul3A_369 : vector<16xf32>
      %broadcast_in_dim3A_371 = arith.constant 1 : i32
      %broadcast_in_dim3A_372 = vector.broadcast %broadcast_in_dim3A_371 : i32 to vector<16xi32>
      %gather3A_373 = tpu.vector_load_idx %arg11[%add3A_362, %broadcast_in_dim3A_372] : memref<512x32xf32, #tpu.memory_space<vmem>>[vector<16xi32>, vector<16xi32>], vector<16xf32>,
      %gather3A_374 = tpu.vector_load_idx %arg12[%add3A_362, %broadcast_in_dim3A_372] : memref<512x32xf32, #tpu.memory_space<vmem>>[vector<16xi32>, vector<16xi32>], vector<16xf32>,
      %mul3A_375 = arith.mulf %gather3A_373, %gather3A_374 : vector<16xf32>
      %add3A_376 = arith.addf %add3A_370, %mul3A_375 : vector<16xf32>
      %broadcast_in_dim3A_377 = arith.constant 2 : i32
      %broadcast_in_dim3A_378 = vector.broadcast %broadcast_in_dim3A_377 : i32 to vector<16xi32>
      %gather3A_379 = tpu.vector_load_idx %arg11[%add3A_362, %broadcast_in_dim3A_378] : memref<512x32xf32, #tpu.memory_space<vmem>>[vector<16xi32>, vector<16xi32>], vector<16xf32>,
      %gather3A_380 = tpu.vector_load_idx %arg12[%add3A_362, %broadcast_in_dim3A_378] : memref<512x32xf32, #tpu.memory_space<vmem>>[vector<16xi32>, vector<16xi32>], vector<16xf32>,
      %mul3A_381 = arith.mulf %gather3A_379, %gather3A_380 : vector<16xf32>
      %add3A_382 = arith.addf %add3A_376, %mul3A_381 : vector<16xf32>
      %broadcast_in_dim3A_383 = arith.constant 3 : i32
      %broadcast_in_dim3A_384 = vector.broadcast %broadcast_in_dim3A_383 : i32 to vector<16xi32>
      %gather3A_385 = tpu.vector_load_idx %arg11[%add3A_362, %broadcast_in_dim3A_384] : memref<512x32xf32, #tpu.memory_space<vmem>>[vector<16xi32>, vector<16xi32>], vector<16xf32>,
      %gather3A_386 = tpu.vector_load_idx %arg12[%add3A_362, %broadcast_in_dim3A_384] : memref<512x32xf32, #tpu.memory_space<vmem>>[vector<16xi32>, vector<16xi32>], vector<16xf32>,
      %mul3A_387 = arith.mulf %gather3A_385, %gather3A_386 : vector<16xf32>
      %add3A_388 = arith.addf %add3A_382, %mul3A_387 : vector<16xf32>
      %broadcast_in_dim3A_389 = arith.constant 4 : i32
      %broadcast_in_dim3A_390 = vector.broadcast %broadcast_in_dim3A_389 : i32 to vector<16xi32>
      %gather3A_391 = tpu.vector_load_idx %arg11[%add3A_362, %broadcast_in_dim3A_390] : memref<512x32xf32, #tpu.memory_space<vmem>>[vector<16xi32>, vector<16xi32>], vector<16xf32>,
      %gather3A_392 = tpu.vector_load_idx %arg12[%add3A_362, %broadcast_in_dim3A_390] : memref<512x32xf32, #tpu.memory_space<vmem>>[vector<16xi32>, vector<16xi32>], vector<16xf32>,
      %mul3A_393 = arith.mulf %gather3A_391, %gather3A_392 : vector<16xf32>
      %add3A_394 = arith.addf %add3A_388, %mul3A_393 : vector<16xf32>
      %broadcast_in_dim3A_395 = arith.constant 5 : i32
      %broadcast_in_dim3A_396 = vector.broadcast %broadcast_in_dim3A_395 : i32 to vector<16xi32>
      %gather3A_397 = tpu.vector_load_idx %arg11[%add3A_362, %broadcast_in_dim3A_396] : memref<512x32xf32, #tpu.memory_space<vmem>>[vector<16xi32>, vector<16xi32>], vector<16xf32>,
      %gather3A_398 = tpu.vector_load_idx %arg12[%add3A_362, %broadcast_in_dim3A_396] : memref<512x32xf32, #tpu.memory_space<vmem>>[vector<16xi32>, vector<16xi32>], vector<16xf32>,
      %mul3A_399 = arith.mulf %gather3A_397, %gather3A_398 : vector<16xf32>
      %add3A_400 = arith.addf %add3A_394, %mul3A_399 : vector<16xf32>
      %broadcast_in_dim3A_401 = arith.constant 6 : i32
      %broadcast_in_dim3A_402 = vector.broadcast %broadcast_in_dim3A_401 : i32 to vector<16xi32>
      %gather3A_403 = tpu.vector_load_idx %arg11[%add3A_362, %broadcast_in_dim3A_402] : memref<512x32xf32, #tpu.memory_space<vmem>>[vector<16xi32>, vector<16xi32>], vector<16xf32>,
      %gather3A_404 = tpu.vector_load_idx %arg12[%add3A_362, %broadcast_in_dim3A_402] : memref<512x32xf32, #tpu.memory_space<vmem>>[vector<16xi32>, vector<16xi32>], vector<16xf32>,
      %mul3A_405 = arith.mulf %gather3A_403, %gather3A_404 : vector<16xf32>
      %add3A_406 = arith.addf %add3A_400, %mul3A_405 : vector<16xf32>
      %broadcast_in_dim3A_407 = arith.constant 7 : i32
      %broadcast_in_dim3A_408 = vector.broadcast %broadcast_in_dim3A_407 : i32 to vector<16xi32>
      %gather3A_409 = tpu.vector_load_idx %arg11[%add3A_362, %broadcast_in_dim3A_408] : memref<512x32xf32, #tpu.memory_space<vmem>>[vector<16xi32>, vector<16xi32>], vector<16xf32>,
      %gather3A_410 = tpu.vector_load_idx %arg12[%add3A_362, %broadcast_in_dim3A_408] : memref<512x32xf32, #tpu.memory_space<vmem>>[vector<16xi32>, vector<16xi32>], vector<16xf32>,
      %mul3A_411 = arith.mulf %gather3A_409, %gather3A_410 : vector<16xf32>
      %add3A_412 = arith.addf %add3A_406, %mul3A_411 : vector<16xf32>
      %broadcast_in_dim3A_413 = arith.constant 8 : i32
      %broadcast_in_dim3A_414 = vector.broadcast %broadcast_in_dim3A_413 : i32 to vector<16xi32>
      %gather3A_415 = tpu.vector_load_idx %arg11[%add3A_362, %broadcast_in_dim3A_414] : memref<512x32xf32, #tpu.memory_space<vmem>>[vector<16xi32>, vector<16xi32>], vector<16xf32>,
      %gather3A_416 = tpu.vector_load_idx %arg12[%add3A_362, %broadcast_in_dim3A_414] : memref<512x32xf32, #tpu.memory_space<vmem>>[vector<16xi32>, vector<16xi32>], vector<16xf32>,
      %mul3A_417 = arith.mulf %gather3A_415, %gather3A_416 : vector<16xf32>
      %add3A_418 = arith.addf %add3A_412, %mul3A_417 : vector<16xf32>
      %broadcast_in_dim3A_419 = arith.constant 9 : i32
      %broadcast_in_dim3A_420 = vector.broadcast %broadcast_in_dim3A_419 : i32 to vector<16xi32>
      %gather3A_421 = tpu.vector_load_idx %arg11[%add3A_362, %broadcast_in_dim3A_420] : memref<512x32xf32, #tpu.memory_space<vmem>>[vector<16xi32>, vector<16xi32>], vector<16xf32>,
      %gather3A_422 = tpu.vector_load_idx %arg12[%add3A_362, %broadcast_in_dim3A_420] : memref<512x32xf32, #tpu.memory_space<vmem>>[vector<16xi32>, vector<16xi32>], vector<16xf32>,
      %mul3A_423 = arith.mulf %gather3A_421, %gather3A_422 : vector<16xf32>
      %add3A_424 = arith.addf %add3A_418, %mul3A_423 : vector<16xf32>
      %broadcast_in_dim3A_425 = arith.constant 10 : i32
      %broadcast_in_dim3A_426 = vector.broadcast %broadcast_in_dim3A_425 : i32 to vector<16xi32>
      %gather3A_427 = tpu.vector_load_idx %arg11[%add3A_362, %broadcast_in_dim3A_426] : memref<512x32xf32, #tpu.memory_space<vmem>>[vector<16xi32>, vector<16xi32>], vector<16xf32>,
      %gather3A_428 = tpu.vector_load_idx %arg12[%add3A_362, %broadcast_in_dim3A_426] : memref<512x32xf32, #tpu.memory_space<vmem>>[vector<16xi32>, vector<16xi32>], vector<16xf32>,
      %mul3A_429 = arith.mulf %gather3A_427, %gather3A_428 : vector<16xf32>
      %add3A_430 = arith.addf %add3A_424, %mul3A_429 : vector<16xf32>
      %broadcast_in_dim3A_431 = arith.constant 11 : i32
      %broadcast_in_dim3A_432 = vector.broadcast %broadcast_in_dim3A_431 : i32 to vector<16xi32>
      %gather3A_433 = tpu.vector_load_idx %arg11[%add3A_362, %broadcast_in_dim3A_432] : memref<512x32xf32, #tpu.memory_space<vmem>>[vector<16xi32>, vector<16xi32>], vector<16xf32>,
      %gather3A_434 = tpu.vector_load_idx %arg12[%add3A_362, %broadcast_in_dim3A_432] : memref<512x32xf32, #tpu.memory_space<vmem>>[vector<16xi32>, vector<16xi32>], vector<16xf32>,
      %mul3A_435 = arith.mulf %gather3A_433, %gather3A_434 : vector<16xf32>
      %add3A_436 = arith.addf %add3A_430, %mul3A_435 : vector<16xf32>
      %broadcast_in_dim3A_437 = arith.constant 12 : i32
      %broadcast_in_dim3A_438 = vector.broadcast %broadcast_in_dim3A_437 : i32 to vector<16xi32>
      %gather3A_439 = tpu.vector_load_idx %arg11[%add3A_362, %broadcast_in_dim3A_438] : memref<512x32xf32, #tpu.memory_space<vmem>>[vector<16xi32>, vector<16xi32>], vector<16xf32>,
      %gather3A_440 = tpu.vector_load_idx %arg12[%add3A_362, %broadcast_in_dim3A_438] : memref<512x32xf32, #tpu.memory_space<vmem>>[vector<16xi32>, vector<16xi32>], vector<16xf32>,
      %mul3A_441 = arith.mulf %gather3A_439, %gather3A_440 : vector<16xf32>
      %add3A_442 = arith.addf %add3A_436, %mul3A_441 : vector<16xf32>
      %broadcast_in_dim3A_443 = arith.constant 13 : i32
      %broadcast_in_dim3A_444 = vector.broadcast %broadcast_in_dim3A_443 : i32 to vector<16xi32>
      %gather3A_445 = tpu.vector_load_idx %arg11[%add3A_362, %broadcast_in_dim3A_444] : memref<512x32xf32, #tpu.memory_space<vmem>>[vector<16xi32>, vector<16xi32>], vector<16xf32>,
      %gather3A_446 = tpu.vector_load_idx %arg12[%add3A_362, %broadcast_in_dim3A_444] : memref<512x32xf32, #tpu.memory_space<vmem>>[vector<16xi32>, vector<16xi32>], vector<16xf32>,
      %mul3A_447 = arith.mulf %gather3A_445, %gather3A_446 : vector<16xf32>
      %add3A_448 = arith.addf %add3A_442, %mul3A_447 : vector<16xf32>
      %broadcast_in_dim3A_449 = arith.constant 14 : i32
      %broadcast_in_dim3A_450 = vector.broadcast %broadcast_in_dim3A_449 : i32 to vector<16xi32>
      %gather3A_451 = tpu.vector_load_idx %arg11[%add3A_362, %broadcast_in_dim3A_450] : memref<512x32xf32, #tpu.memory_space<vmem>>[vector<16xi32>, vector<16xi32>], vector<16xf32>,
      %gather3A_452 = tpu.vector_load_idx %arg12[%add3A_362, %broadcast_in_dim3A_450] : memref<512x32xf32, #tpu.memory_space<vmem>>[vector<16xi32>, vector<16xi32>], vector<16xf32>,
      %mul3A_453 = arith.mulf %gather3A_451, %gather3A_452 : vector<16xf32>
      %add3A_454 = arith.addf %add3A_448, %mul3A_453 : vector<16xf32>
      %broadcast_in_dim3A_455 = arith.constant 15 : i32
      %broadcast_in_dim3A_456 = vector.broadcast %broadcast_in_dim3A_455 : i32 to vector<16xi32>
      %gather3A_457 = tpu.vector_load_idx %arg11[%add3A_362, %broadcast_in_dim3A_456] : memref<512x32xf32, #tpu.memory_space<vmem>>[vector<16xi32>, vector<16xi32>], vector<16xf32>,
      %gather3A_458 = tpu.vector_load_idx %arg12[%add3A_362, %broadcast_in_dim3A_456] : memref<512x32xf32, #tpu.memory_space<vmem>>[vector<16xi32>, vector<16xi32>], vector<16xf32>,
      %mul3A_459 = arith.mulf %gather3A_457, %gather3A_458 : vector<16xf32>
      %add3A_460 = arith.addf %add3A_454, %mul3A_459 : vector<16xf32>
      %broadcast_in_dim3A_461 = arith.constant 16 : i32
      %broadcast_in_dim3A_462 = vector.broadcast %broadcast_in_dim3A_461 : i32 to vector<16xi32>
      %gather3A_463 = tpu.vector_load_idx %arg11[%add3A_362, %broadcast_in_dim3A_462] : memref<512x32xf32, #tpu.memory_space<vmem>>[vector<16xi32>, vector<16xi32>], vector<16xf32>,
      %gather3A_464 = tpu.vector_load_idx %arg12[%add3A_362, %broadcast_in_dim3A_462] : memref<512x32xf32, #tpu.memory_space<vmem>>[vector<16xi32>, vector<16xi32>], vector<16xf32>,
      %mul3A_465 = arith.mulf %gather3A_463, %gather3A_464 : vector<16xf32>
      %add3A_466 = arith.addf %add3A_460, %mul3A_465 : vector<16xf32>
      %broadcast_in_dim3A_467 = arith.constant 17 : i32
      %broadcast_in_dim3A_468 = vector.broadcast %broadcast_in_dim3A_467 : i32 to vector<16xi32>
      %gather3A_469 = tpu.vector_load_idx %arg11[%add3A_362, %broadcast_in_dim3A_468] : memref<512x32xf32, #tpu.memory_space<vmem>>[vector<16xi32>, vector<16xi32>], vector<16xf32>,
      %gather3A_470 = tpu.vector_load_idx %arg12[%add3A_362, %broadcast_in_dim3A_468] : memref<512x32xf32, #tpu.memory_space<vmem>>[vector<16xi32>, vector<16xi32>], vector<16xf32>,
      %mul3A_471 = arith.mulf %gather3A_469, %gather3A_470 : vector<16xf32>
      %add3A_472 = arith.addf %add3A_466, %mul3A_471 : vector<16xf32>
      %broadcast_in_dim3A_473 = arith.constant 18 : i32
      %broadcast_in_dim3A_474 = vector.broadcast %broadcast_in_dim3A_473 : i32 to vector<16xi32>
      %gather3A_475 = tpu.vector_load_idx %arg11[%add3A_362, %broadcast_in_dim3A_474] : memref<512x32xf32, #tpu.memory_space<vmem>>[vector<16xi32>, vector<16xi32>], vector<16xf32>,
      %gather3A_476 = tpu.vector_load_idx %arg12[%add3A_362, %broadcast_in_dim3A_474] : memref<512x32xf32, #tpu.memory_space<vmem>>[vector<16xi32>, vector<16xi32>], vector<16xf32>,
      %mul3A_477 = arith.mulf %gather3A_475, %gather3A_476 : vector<16xf32>
      %add3A_478 = arith.addf %add3A_472, %mul3A_477 : vector<16xf32>
      %broadcast_in_dim3A_479 = arith.constant 19 : i32
      %broadcast_in_dim3A_480 = vector.broadcast %broadcast_in_dim3A_479 : i32 to vector<16xi32>
      %gather3A_481 = tpu.vector_load_idx %arg11[%add3A_362, %broadcast_in_dim3A_480] : memref<512x32xf32, #tpu.memory_space<vmem>>[vector<16xi32>, vector<16xi32>], vector<16xf32>,
      %gather3A_482 = tpu.vector_load_idx %arg12[%add3A_362, %broadcast_in_dim3A_480] : memref<512x32xf32, #tpu.memory_space<vmem>>[vector<16xi32>, vector<16xi32>], vector<16xf32>,
      %mul3A_483 = arith.mulf %gather3A_481, %gather3A_482 : vector<16xf32>
      %add3A_484 = arith.addf %add3A_478, %mul3A_483 : vector<16xf32>
      %broadcast_in_dim3A_485 = arith.constant 20 : i32
      %broadcast_in_dim3A_486 = vector.broadcast %broadcast_in_dim3A_485 : i32 to vector<16xi32>
      %gather3A_487 = tpu.vector_load_idx %arg11[%add3A_362, %broadcast_in_dim3A_486] : memref<512x32xf32, #tpu.memory_space<vmem>>[vector<16xi32>, vector<16xi32>], vector<16xf32>,
      %gather3A_488 = tpu.vector_load_idx %arg12[%add3A_362, %broadcast_in_dim3A_486] : memref<512x32xf32, #tpu.memory_space<vmem>>[vector<16xi32>, vector<16xi32>], vector<16xf32>,
      %mul3A_489 = arith.mulf %gather3A_487, %gather3A_488 : vector<16xf32>
      %add3A_490 = arith.addf %add3A_484, %mul3A_489 : vector<16xf32>
      %broadcast_in_dim3A_491 = arith.constant 21 : i32
      %broadcast_in_dim3A_492 = vector.broadcast %broadcast_in_dim3A_491 : i32 to vector<16xi32>
      %gather3A_493 = tpu.vector_load_idx %arg11[%add3A_362, %broadcast_in_dim3A_492] : memref<512x32xf32, #tpu.memory_space<vmem>>[vector<16xi32>, vector<16xi32>], vector<16xf32>,
      %gather3A_494 = tpu.vector_load_idx %arg12[%add3A_362, %broadcast_in_dim3A_492] : memref<512x32xf32, #tpu.memory_space<vmem>>[vector<16xi32>, vector<16xi32>], vector<16xf32>,
      %mul3A_495 = arith.mulf %gather3A_493, %gather3A_494 : vector<16xf32>
      %add3A_496 = arith.addf %add3A_490, %mul3A_495 : vector<16xf32>
      %broadcast_in_dim3A_497 = arith.constant 22 : i32
      %broadcast_in_dim3A_498 = vector.broadcast %broadcast_in_dim3A_497 : i32 to vector<16xi32>
      %gather3A_499 = tpu.vector_load_idx %arg11[%add3A_362, %broadcast_in_dim3A_498] : memref<512x32xf32, #tpu.memory_space<vmem>>[vector<16xi32>, vector<16xi32>], vector<16xf32>,
      %gather3A_500 = tpu.vector_load_idx %arg12[%add3A_362, %broadcast_in_dim3A_498] : memref<512x32xf32, #tpu.memory_space<vmem>>[vector<16xi32>, vector<16xi32>], vector<16xf32>,
      %mul3A_501 = arith.mulf %gather3A_499, %gather3A_500 : vector<16xf32>
      %add3A_502 = arith.addf %add3A_496, %mul3A_501 : vector<16xf32>
      %broadcast_in_dim3A_503 = arith.constant 23 : i32
      %broadcast_in_dim3A_504 = vector.broadcast %broadcast_in_dim3A_503 : i32 to vector<16xi32>
      %gather3A_505 = tpu.vector_load_idx %arg11[%add3A_362, %broadcast_in_dim3A_504] : memref<512x32xf32, #tpu.memory_space<vmem>>[vector<16xi32>, vector<16xi32>], vector<16xf32>,
      %gather3A_506 = tpu.vector_load_idx %arg12[%add3A_362, %broadcast_in_dim3A_504] : memref<512x32xf32, #tpu.memory_space<vmem>>[vector<16xi32>, vector<16xi32>], vector<16xf32>,
      %mul3A_507 = arith.mulf %gather3A_505, %gather3A_506 : vector<16xf32>
      %add3A_508 = arith.addf %add3A_502, %mul3A_507 : vector<16xf32>
      %broadcast_in_dim3A_509 = arith.constant 24 : i32
      %broadcast_in_dim3A_510 = vector.broadcast %broadcast_in_dim3A_509 : i32 to vector<16xi32>
      %gather3A_511 = tpu.vector_load_idx %arg11[%add3A_362, %broadcast_in_dim3A_510] : memref<512x32xf32, #tpu.memory_space<vmem>>[vector<16xi32>, vector<16xi32>], vector<16xf32>,
      %gather3A_512 = tpu.vector_load_idx %arg12[%add3A_362, %broadcast_in_dim3A_510] : memref<512x32xf32, #tpu.memory_space<vmem>>[vector<16xi32>, vector<16xi32>], vector<16xf32>,
      %mul3A_513 = arith.mulf %gather3A_511, %gather3A_512 : vector<16xf32>
      %add3A_514 = arith.addf %add3A_508, %mul3A_513 : vector<16xf32>
      %broadcast_in_dim3A_515 = arith.constant 25 : i32
      %broadcast_in_dim3A_516 = vector.broadcast %broadcast_in_dim3A_515 : i32 to vector<16xi32>
      %gather3A_517 = tpu.vector_load_idx %arg11[%add3A_362, %broadcast_in_dim3A_516] : memref<512x32xf32, #tpu.memory_space<vmem>>[vector<16xi32>, vector<16xi32>], vector<16xf32>,
      %gather3A_518 = tpu.vector_load_idx %arg12[%add3A_362, %broadcast_in_dim3A_516] : memref<512x32xf32, #tpu.memory_space<vmem>>[vector<16xi32>, vector<16xi32>], vector<16xf32>,
      %mul3A_519 = arith.mulf %gather3A_517, %gather3A_518 : vector<16xf32>
      %add3A_520 = arith.addf %add3A_514, %mul3A_519 : vector<16xf32>
      %broadcast_in_dim3A_521 = arith.constant 26 : i32
      %broadcast_in_dim3A_522 = vector.broadcast %broadcast_in_dim3A_521 : i32 to vector<16xi32>
      %gather3A_523 = tpu.vector_load_idx %arg11[%add3A_362, %broadcast_in_dim3A_522] : memref<512x32xf32, #tpu.memory_space<vmem>>[vector<16xi32>, vector<16xi32>], vector<16xf32>,
      %gather3A_524 = tpu.vector_load_idx %arg12[%add3A_362, %broadcast_in_dim3A_522] : memref<512x32xf32, #tpu.memory_space<vmem>>[vector<16xi32>, vector<16xi32>], vector<16xf32>,
      %mul3A_525 = arith.mulf %gather3A_523, %gather3A_524 : vector<16xf32>
      %add3A_526 = arith.addf %add3A_520, %mul3A_525 : vector<16xf32>
      %broadcast_in_dim3A_527 = arith.constant 27 : i32
      %broadcast_in_dim3A_528 = vector.broadcast %broadcast_in_dim3A_527 : i32 to vector<16xi32>
      %gather3A_529 = tpu.vector_load_idx %arg11[%add3A_362, %broadcast_in_dim3A_528] : memref<512x32xf32, #tpu.memory_space<vmem>>[vector<16xi32>, vector<16xi32>], vector<16xf32>,
      %gather3A_530 = tpu.vector_load_idx %arg12[%add3A_362, %broadcast_in_dim3A_528] : memref<512x32xf32, #tpu.memory_space<vmem>>[vector<16xi32>, vector<16xi32>], vector<16xf32>,
      %mul3A_531 = arith.mulf %gather3A_529, %gather3A_530 : vector<16xf32>
      %add3A_532 = arith.addf %add3A_526, %mul3A_531 : vector<16xf32>
      %broadcast_in_dim3A_533 = arith.constant 28 : i32
      %broadcast_in_dim3A_534 = vector.broadcast %broadcast_in_dim3A_533 : i32 to vector<16xi32>
      %gather3A_535 = tpu.vector_load_idx %arg11[%add3A_362, %broadcast_in_dim3A_534] : memref<512x32xf32, #tpu.memory_space<vmem>>[vector<16xi32>, vector<16xi32>], vector<16xf32>,
      %gather3A_536 = tpu.vector_load_idx %arg12[%add3A_362, %broadcast_in_dim3A_534] : memref<512x32xf32, #tpu.memory_space<vmem>>[vector<16xi32>, vector<16xi32>], vector<16xf32>,
      %mul3A_537 = arith.mulf %gather3A_535, %gather3A_536 : vector<16xf32>
      %add3A_538 = arith.addf %add3A_532, %mul3A_537 : vector<16xf32>
      %broadcast_in_dim3A_539 = arith.constant 29 : i32
      %broadcast_in_dim3A_540 = vector.broadcast %broadcast_in_dim3A_539 : i32 to vector<16xi32>
      %gather3A_541 = tpu.vector_load_idx %arg11[%add3A_362, %broadcast_in_dim3A_540] : memref<512x32xf32, #tpu.memory_space<vmem>>[vector<16xi32>, vector<16xi32>], vector<16xf32>,
      %gather3A_542 = tpu.vector_load_idx %arg12[%add3A_362, %broadcast_in_dim3A_540] : memref<512x32xf32, #tpu.memory_space<vmem>>[vector<16xi32>, vector<16xi32>], vector<16xf32>,
      %mul3A_543 = arith.mulf %gather3A_541, %gather3A_542 : vector<16xf32>
      %add3A_544 = arith.addf %add3A_538, %mul3A_543 : vector<16xf32>
      %broadcast_in_dim3A_545 = arith.constant 30 : i32
      %broadcast_in_dim3A_546 = vector.broadcast %broadcast_in_dim3A_545 : i32 to vector<16xi32>
      %gather3A_547 = tpu.vector_load_idx %arg11[%add3A_362, %broadcast_in_dim3A_546] : memref<512x32xf32, #tpu.memory_space<vmem>>[vector<16xi32>, vector<16xi32>], vector<16xf32>,
      %gather3A_548 = tpu.vector_load_idx %arg12[%add3A_362, %broadcast_in_dim3A_546] : memref<512x32xf32, #tpu.memory_space<vmem>>[vector<16xi32>, vector<16xi32>], vector<16xf32>,
      %mul3A_549 = arith.mulf %gather3A_547, %gather3A_548 : vector<16xf32>
      %add3A_550 = arith.addf %add3A_544, %mul3A_549 : vector<16xf32>
      %broadcast_in_dim3A_551 = arith.constant 31 : i32
      %broadcast_in_dim3A_552 = vector.broadcast %broadcast_in_dim3A_551 : i32 to vector<16xi32>
      %gather3A_553 = tpu.vector_load_idx %arg11[%add3A_362, %broadcast_in_dim3A_552] : memref<512x32xf32, #tpu.memory_space<vmem>>[vector<16xi32>, vector<16xi32>], vector<16xf32>,
      %gather3A_554 = tpu.vector_load_idx %arg12[%add3A_362, %broadcast_in_dim3A_552] : memref<512x32xf32, #tpu.memory_space<vmem>>[vector<16xi32>, vector<16xi32>], vector<16xf32>,
      %mul3A_555 = arith.mulf %gather3A_553, %gather3A_554 : vector<16xf32>
      %add3A_556 = arith.addf %add3A_550, %mul3A_555 : vector<16xf32>
      %neg3A = arith.constant 0.000000e+00 : f32
      %neg3A_557 = vector.broadcast %neg3A : f32 to vector<16xf32>
      %neg3A_558 = arith.subf %neg3A_557, %add3A_556 : vector<16xf32>
      %exp3A = math.exp %neg3A_558 : vector<16xf32>
      %add3A_559 = arith.constant 1.000000e+00 : f32
      %add3A_560 = vector.broadcast %add3A_559 : f32 to vector<16xf32>
      %add3A_561 = arith.addf %add3A_560, %exp3A : vector<16xf32>
      %div3A = arith.constant 1.050000e+00 : f32
      %div3A_562 = vector.broadcast %div3A : f32 to vector<16xf32>
      %div3A_563 = arith.divf %div3A_562, %add3A_561 : vector<16xf32>
      %swap3A = arith.index_cast %mul3A_360 : i32 to index
      %swap3A_564 = tpu.vector_load %arg15[%swap3A] {strides = array<i32>} : memref<512xf32, #tpu.memory_space<vmem>>, vector<16xf32>,
      tpu.vector_store %arg15[%swap3A], %div3A_563 {strides = array<i32>} : memref<512xf32, #tpu.memory_space<vmem>>, vector<16xf32>,
    }
    %scan3A_355 = arith.constant 32 : i32
    %mul3A_356 = arith.constant 512 : i32
    %mul3A_357 = arith.muli %add3A, %mul3A_356 : i32
    "tpu.region"() ({
      %run_scoped3A = tpu.sem_alloc : memref<!tpu.dma_semaphore, #tpu.memory_space<semaphore_mem>>
      %dma_start3A_358 = tpu.memref_slice %arg8[%mul3A_357] : memref<16384xf32, #tpu.memory_space<hbm>> -> memref<512xf32, #tpu.memory_space<hbm>>
      %dma_start3A_359 = tpu.memref_slice %arg8[%mul3A_357] : memref<16384xf32, #tpu.memory_space<hbm>> -> memref<512xf32, #tpu.memory_space<hbm>>
      tpu.enqueue_dma source(%arg15 : memref<512xf32, #tpu.memory_space<vmem>>) target(%dma_start3A_359 : memref<512xf32, #tpu.memory_space<hbm>>) target_semaphore(%run_scoped3A : memref<!tpu.dma_semaphore, #tpu.memory_space<semaphore_mem>>)
      %dma_wait3A_360 = tpu.memref_slice %arg8[%mul3A_357] : memref<16384xf32, #tpu.memory_space<hbm>> -> memref<512xf32, #tpu.memory_space<hbm>>
      %dma_wait3A_361 = tpu.memref_slice %arg8[%mul3A_357] : memref<16384xf32, #tpu.memory_space<hbm>> -> memref<512xf32, #tpu.memory_space<hbm>>
      tpu.wait_dma2 semaphore(%run_scoped3A : memref<!tpu.dma_semaphore, #tpu.memory_space<semaphore_mem>>) src(%arg15 : memref<512xf32, #tpu.memory_space<vmem>>) dst(%dma_wait3A_361 : memref<512xf32, #tpu.memory_space<hbm>>)
      tpu.yield
    }) : () -> ()
    return
  }
}

</mosaic_0001>

<sc_bundles>
// kernel: kernel.3.cloned.1.call-start
scs
__scs_entry_jumppad:
0x0: {  	(pc) =	sbr.rel $0x88, $3  }
0x1: {  	(tag) =	ssettag $0x0;
	lr =	simm.s32 $0x1  }
0x2: {  	[smem:$0x3F9C] =	sst lr;
	_ =	strace $0xD0000000  }
0x3: {  	_ = 	snop  }
0x4: {  	_ = 	snop  }
0x5: {  	_ = 	snop  }
0x6: {  	_ = 	snop  }
0x7: {  	_ = 	snop  }
__scs_overlays_trampoline_lowered:
0x8: {  	[smem:$0x3FAB] =	sst s0  }
0x9: {  	[smem:$0x3FAC] =	sst s1  }
0xa: {  	[smem:$0x3FAD] =	sst s2  }
0xb: {  	[smem:$0x3FAE] =	sst s3  }
0xc: {  	[smem:$0x3FAF] =	sst s4  }
0xd: {  	[smem:$0x3FB0] =	sst s5  }
0xe: {  	[smem:$0x3FB1] =	sst s6  }
0xf: {  	[smem:$0x3FB2] =	sst s7  }
0x10: {  	[smem:$0x3FB3] =	sst s8  }
0x11: {  	[smem:$0x3FB4] =	sst s9;
	s0 =	simm.s32 @!p0 $0x0  }
0x12: {  	s1 =	sld [smem:$0x3F9A];
	s0 =	simm.s32 @p0 $0x1  }
0x13: {  	[smem:$0x3FB5] =	sst s0;
	s0 =	simm.s32 @!p1 $0x0  }
0x14: {  	s2 =	sld [smem:$0x3F99];
	s0 =	simm.s32 @p1 $0x1  }
0x15: {  	[smem:$0x3FB6] =	sst s0;
	s0 =	simm.s32 @!p2 $0x0  }
0x16: {  	s3 =	sld [smem:$0x3FDB];
	s0 =	simm.s32 @p2 $0x1  }
0x17: {  	s4 =	simm.s32 $0x1BF5;
	[smem:$0x3FB8] =	sst s0  }
0x18: {  	s0 =	sld [smem:$0x3F9B];
	_ =	swait.ge [sflag:s4], $0x0  }
0x19: {  	s7 =	sld [smem:$0x3F9C]  }
0x1a: {  	s8 =	sadd.s32 $0xFFFFE003, lr  }
0x1b: {  	s9 =	sadd.s32 $0xFFFFFEF7, lr;
	s5 =	simm.s32 $0xFFFFFFFF;
	p2 =	slt.u32 s8, $0xFFFFF086  }
0x1c: {  	p1 =	slt.u32 s9, $0xF7A;
	s5 =	simm.s32 @!p2 $0x0  }
0x1d: {  	s5 =	simm.s32 @p1 $0x1;
	p0 =	seq.s32 s7, s2  }
0x1e: {  	s7 =	smul.u32 @!p0 $0xF7A, s2;
	p2 =	seq.s32 @!p0 s5, $0x0  }
0x1f: {  	s9 =	smul.u32 $0xF7A, s1;
	s8 =	simm.s32 @!p0 $0x1BF5;
	p2 =	por !p2, p0  }
0x20: {  	[sflag:s8] =	ssyncset.s32 @!p0 $0xFFFFF086;
	s6 =	sadd.s32 @!p0 s3, s7;
	s7 =	simm.s32 @!p0 $0x108  }
0x21: {  	s3 =	sadd.s32 s3, s9;
	s6 =	sadd.s32 @!p0 $0x88, s6;
	s7 =	simm.s32 @p2 $0x1082  }
0x22: {  	[simem:s7], [sflag:s8] =	dma.local @!p0 [hbm:s6], $0xF7A  }
0x23: {  	s9 =	sor.u32 $0xD0000000, s2;
	s6 =	simm.s32 $0x108;
	_ =	swait.ge @!p0 [sflag:s8], $0x0  }
0x24: {  	s3 =	sadd.s32 $0x88, s3;
	s6 =	simm.s32 @!p1 $0x1082;
	[sflag:s4] =	ssyncset.s32 $0xFFFFF086  }
0x25: {  	[simem:s6], [sflag:s4] =	dma.local [hbm:s3], $0xF7A  }
0x26: {  	[smem:$0x3F9C] =	sst s1;
	(tag) =	ssettag s2;
	_ =	strace s9  }
0x27: {  	s1 =	sld [smem:$0x3FAC]  }
0x28: {  	s2 =	sld [smem:$0x3FAD]  }
0x29: {  	s4 =	sld [smem:$0x3FAF]  }
0x2a: {  	p0 =	seq.s32 s5, $0x0;
	s5 =	sld [smem:$0x3FB0]  }
0x2b: {  	s6 =	sld [smem:$0x3FB1]  }
0x2c: {  	s7 =	sld [smem:$0x3FB2]  }
0x2d: {  	s3 =	simm.s32 $0x108;
	s8 =	sld [smem:$0x3FB3]  }
0x2e: {  	s3 =	simm.s32 @!p0 $0x1082;
	s9 =	sld [smem:$0x3FB4]  }
0x2f: {  	lr =	sadd.s32 s0, s3;
	s0 =	sld [smem:$0x3FAB]  }
0x30: {  	s3 =	sld [smem:$0x3FAE]  }
0x31: {  	[smem:$0x3FB7] =	sst s10  }
0x32: {  	s10 =	sld [smem:$0x3FB5];
	_ =	sdelay $0x3  }
0x33: {  	p0 =	seq.s32 s10, $0x1;
	s10 =	sld [smem:$0x3FB7];
	_ =	sdelay $0x3  }
0x34: {  	[smem:$0x3FB7] =	sst s10  }
0x35: {  	s10 =	sld [smem:$0x3FB6];
	_ =	sdelay $0x3  }
0x36: {  	p1 =	seq.s32 s10, $0x1;
	s10 =	sld [smem:$0x3FB7];
	_ =	sdelay $0x3  }
0x37: {  	[smem:$0x3FB7] =	sst s10  }
0x38: {  	s10 =	sld [smem:$0x3FB8]  }
0x39: {  	_ = 	snop;
	(pc) =	sbr.ind lr, $3  }
0x3a: {  	_ = 	snop  }
0x3b: {  	_ = 	snop  }
0x3c: {  	p2 =	seq.s32 s10, $0x1;
	s10 =	sld [smem:$0x3FB7]  }
0x3d: {  	_ =	shalt  }
0x3e: {  	_ =	shalt  }
0x3f: {  	_ =	shalt  }
0x40: {  	_ =	shalt  }
0x41: {  	_ =	shalt  }
0x42: {  	_ =	shalt  }
0x43: {  	_ =	shalt  }
0x44: {  	_ =	shalt  }
0x45: {  	_ =	shalt  }
0x46: {  	_ =	shalt  }
0x47: {  	_ =	shalt  }
0x48: {  	_ =	shalt  }
0x49: {  	_ =	shalt  }
0x4a: {  	_ =	shalt  }
0x4b: {  	_ =	shalt  }
0x4c: {  	_ =	shalt  }
0x4d: {  	_ =	shalt  }
0x4e: {  	_ =	shalt  }
0x4f: {  	_ =	shalt  }
0x50: {  	_ =	shalt  }
0x51: {  	_ =	shalt  }
0x52: {  	_ =	shalt  }
0x53: {  	_ =	shalt  }
0x54: {  	_ =	shalt  }
0x55: {  	_ =	shalt  }
0x56: {  	_ =	shalt  }
0x57: {  	_ =	shalt  }
0x58: {  	_ =	shalt  }
0x59: {  	_ =	shalt  }
0x5a: {  	_ =	shalt  }
0x5b: {  	_ =	shalt  }
0x5c: {  	_ =	shalt  }
0x5d: {  	_ =	shalt  }
0x5e: {  	_ =	shalt  }
0x5f: {  	_ =	shalt  }
0x60: {  	_ =	shalt  }
0x61: {  	_ =	shalt  }
0x62: {  	_ =	shalt  }
0x63: {  	_ =	shalt  }
0x64: {  	_ =	shalt  }
0x65: {  	_ =	shalt  }
0x66: {  	_ =	shalt  }
0x67: {  	_ =	shalt  }
0x68: {  	_ =	shalt  }
0x69: {  	_ =	shalt  }
0x6a: {  	_ =	shalt  }
0x6b: {  	_ =	shalt  }
0x6c: {  	_ =	shalt  }
0x6d: {  	_ =	shalt  }
0x6e: {  	_ =	shalt  }
0x6f: {  	_ =	shalt  }
0x70: {  	_ =	shalt  }
0x71: {  	_ =	shalt  }
0x72: {  	_ =	shalt  }
0x73: {  	_ =	shalt  }
0x74: {  	_ =	shalt  }
0x75: {  	_ =	shalt  }
0x76: {  	_ =	shalt  }
0x77: {  	_ =	shalt  }
0x78: {  	_ =	shalt  }
0x79: {  	_ =	shalt  }
0x7a: {  	_ =	shalt  }
0x7b: {  	_ =	shalt  }
0x7c: {  	_ =	shalt  }
0x7d: {  	_ =	shalt  }
0x7e: {  	_ =	shalt  }
0x7f: {  	_ =	shalt  }
0x80: {  	_ =	shalt  }
0x81: {  	_ =	shalt  }
0x82: {  	_ =	shalt  }
0x83: {  	_ =	shalt  }
0x84: {  	_ =	shalt  }
0x85: {  	_ =	shalt  }
0x86: {  	_ =	shalt  }
0x87: {  	_ =	shalt  }
.Lfunc_end0:
.L_simem_size_0:
called_computation_lowered:
.L_overlay_start_0:
0x88: {  	s2 =	sld [smem:$0x3FD9]  }
0x89: {  	s3 =	sld [smem:$0x3FFE];
	_ =	sdelay $0x1  }
0x8a: {  	s1 =	srdreg.scid  }
0x8b: {  	s0 =	sand.u32 $0x1, s1  }
0x8c: {  	s17 =	sshll.u32 s0, $0xA;
	s2 =	sadd.s32 s3, s2  }
0x8d: {  	s2 =	sadd.s32 s2, s17  }
0x8e: {  	[smem:$0x3FC3] =	sst s2  }
0x8f: {  	_ = 	snop  }
0x90: {  	s2 =	sld [smem:$0x3FD0];
	(tm) =	ssettm $0x1  }
0x91: {  	s18 =	sld [smem:$0x3FFB];
	_ =	sdelay $0x3  }
0x92: {  	_ =	strace s18  }
0x93: {  	s3 =	sld [smem:$0x3FFC];
	_ =	sdelay $0x3  }
0x94: {  	_ =	strace s3  }
0x95: {  	s3 =	sld [smem:$0x3FFD];
	_ =	sdelay $0x3  }
0x96: {  	_ =	strace s3  }
0x97: {  	_ =	strace $0x8FFFFFFF  }
0x98: {  	s19 =	sld [smem:$0x3FDB];
	_ =	sdelay $0x1  }
0x99: {  	s4 =	simm.s32 $_scs_section_size  }
0x9a: {  	s5 =	simm.s32 $_size__tile_overlayer_lowered;
	s6 =	simm.s32 $_tile_overlayer_lowered  }
0x9b: {  	s22 =	simm.s32 $0x1BFF;
	s21 =	sshll.u32 s6, $0x1;
	s3 =	sadd.s32 s4, s19  }
0x9c: {  	s7 =	simm.s32 $0x0;
	s20 =	sshll.u32 s5, $0x1;
	s5 =	sadd.s32 s21, s3  }
0x9d: {  	[timem:s7], [sflag:s22] =	dma.local [hbm:s5], s20  }
0x9e: {  	_ =	swait.ge [sflag:s22], s20  }
0x9f: {  	s4 =	ssub.s32 $0x0, s20;
	[sflag:s22] =	ssyncset.done $0x0  }
0xa0: {  	[sflag:s22] =	ssyncadd.s32 s4;
	_ =	sdelay $0x1  }
0xa1: {  	s23 =	simm.s32 $0x1B8B  }
0xa2: {  	_ =	swait.ge [sflag:s23], $0x1  }
0xa3: {  	[sflag:s23] =	ssyncset.done $0x0  }
0xa4: {  	s25 =	simm.s32 $0x1B8E;
	s24 =	sld [smem:$0x3FFE];
	[sflag:s23] =	ssyncadd.s32 $0xFFFFFFFF  }
0xa5: {  	s26 =	simm.s32 $execute0_lowered;
	[smem:$0x3FD2] =	sst s25  }
0xa6: {  	s5 =	sshll.u32 s26, $0x1;
	_ =	strace $0x80000046;
	[dreg:$0x1] =	wrdreg $0xFFFFFFFF  }
0xa7: {  	s28 =	simm.s32 $_size_execute0_lowered;
	s3 =	sadd.s32 s3, s5;
	[dreg:$0x0] =	wrdreg $0x0  }
0xa8: {  	s5 =	sshll.u32 s28, $0x1;
	[dreg:$0x2] =	wrdreg s3  }
0xa9: {  	[dreg:$0x3] =	wrdreg s5  }
0xaa: {  	[dreg:$0x4] =	wrdreg $0xC0  }
0xab: {  	_ =	task [dreg:s7], $0x5FFFF  }
0xac: {  	[dreg:$0x1] =	wrdreg $0xFFFFFFFF  }
0xad: {  	[dreg:$0x0] =	wrdreg $0x60  }
0xae: {  	[dreg:$0x2] =	wrdreg s24  }
0xaf: {  	[dreg:$0x3] =	wrdreg s2  }
0xb0: {  	[dreg:$0x4] =	wrdreg $0x9  }
0xb1: {  	_ =	task.clear_ibuf [dreg:s7], $0x5FFFF;
	_ =	strace $0x90000046  }
0xb2: {  	s29 =	simm.s32 $0x9;
	_ =	strace $0x80000048  }
0xb3: {  	_ =	swait.ge [sflag:s29], $0x1  }
0xb4: {  	[sflag:s29] =	ssyncadd.s32 $0xFFFFFFFF  }
0xb5: {  	_ =	strace $0x90000048  }
0xb6: {  	_ =	sfence  }
0xb7: {  	s30 =	sld [smem:$0x0];
	_ =	sdelay $0x2  }
0xb8: {  	s31 =	sshll.u32 s1, $0xD;
	s1 =	sshrl.u32 s1, $0x2  }
0xb9: {  	s3 =	sand.u32 $0x4000, s31;
	s1 =	sadd.s32 s1, s30  }
0xba: {  	s0 =	sor.u32 s3, s0;
	s1 =	sshll.u32 s1, $0x11  }
0xbb: {  	s0 =	sor.u32 s1, s0  }
0xbc: {  	s0 =	sadd.s32 $0x8F2B, s0  }
0xbd: {  	[sflag:s0] =	ssyncadd.remote.s32 $0x1  }
0xbe: {  	_ =	sfence.sel $0xFFFF  }
0xbf: {  	[dreg:$0x0] =	wrdreg $0xFFFFFFFF;
	(pc) =	sbr.abs _section_cstart, $3  }
0xc0: {  	[dreg:$0x1] =	wrdreg $0xFFFFFFFF  }
0xc1: {  	_ =	task.clear_ibuf [dreg:s7], $0x2FFFF;
	_ =	strace $0x9FFFFFFF  }
0xc2: {  	(tm) =	ssettm $0x7FFFFFFF  }
0xc3: {  	_ =	shalt  }
tec
execute0_lowered:
.L_overlay_start_1:
0x0: {  	(tag) =	ssettag $0x1  }
0x1: {  	s0 =	rddreg [dreg:$0x0]  }
0x2: {  	s1 =	rddreg [dreg:$0x1];
	s2 =	simm.s32 $0x0;
	s3 =	srdreg.scid  }
0x3: {  	s4 =	stileid.u32;
	s11 =	simm.s32 $0x2;
	s12 =	simm.s32 $0x200  }
0x4: {  	s13 =	simm.s32 $0x80;
	s14 =	simm.s32 $0x400;
	s15 =	simm.s32 $0x4400  }
0x5: {  	s17 =	simm.s32 $0x280;
	s21 =	simm.s32 $0x100;
	s23 =	simm.s32 $0x300  }
0x6: {  	s28 =	simm.s32 $0x180;
	s29 =	simm.s32 $0x3400;
	s30 =	simm.s32 $0x380  }
0x7: {  	s31 =	simm.s32 $0x7400;
	s16 =	simm.s32 $0x1;
	s18 =	simm.s32 $0x8800  }
0x8: {  	s19 =	simm.s32 $0x0;
	[smem:$0x7FF] =	sst s2;
	s5 =	sand.u32 $0x1, s3  }
0x9: {  	s3 =	sadd.s32 $0x1313E00, s0;
	s6 =	sshll.u32 s4, $0x7;
	s4 =	sadd.s32 $0x1FA00, s0  }
0xa: {  	_ =	strace $0x80000047;
	s7 =	sshll.u32 s5, $0x6;
	s8 =	ssub.s32 $0x2, s5  }
0xb: {  	s5 =	sadd.s32 $0xF43400, s0;
	s9 =	sor.u32 s7, s6;
	s10 =	sshrl.u32 s8, $0x1  }
0xc: {  	s7 =	sadd.s32 $0x1000, s0;
	s6 =	sadd.s32 s0, s9;
	s26 =	ssub.s32 s8, s10  }
0xd: {  	v0 =	vlaneseq.u32;
	s9 =	sadd.s32 s1, s9;
	s0 =	simm.s32 $0x8580;
	s1 =	simm.s32 $0x8780  }
0xe: {  	v0 =	vmul.u32 $0x20, v0;
	s8 =	sadd.s32 $0x800, s6;
	s10 =	smax.u32 s26, $0x1;
	s26 =	simm.s32 $0x8700  }
.LBB2_1:
0xf: {  	[tilespmem:s2], [sflag:$0x2] =	stream.linear.gather [hbm4b:s8+s2], $0x200, $0x38;
	[tilespmem:$0x8A00] =	vst v63  }
0x10: {  	_ =	swait.ge [sflag:s11], $0x200  }
0x11: {  	[sflag:s11] =	ssyncset.done $0x0  }
0x12: {  	[sflag:s11] =	ssyncadd.s32 $0xFFFFFE00  }
0x13: {  	[tilespmem:s12], [sflag:$0x2] =	stream.linear.gather [hbm4b:s6+s2], $0x200, $0x38;
	[tilespmem:$0x8A00] =	vst v63  }
0x14: {  	_ =	swait.ge [sflag:s11], $0x200  }
0x15: {  	[sflag:s11] =	ssyncset.done $0x0  }
0x16: {  	[sflag:s11] =	ssyncadd.s32 $0xFFFFFE00  }
0x17: {  	[tilespmem:s14], [sflag:$0x1] =	stream.indirect.gather [hbm4b:s3+s13], $0x20, s2, s13, $0xb8;
	[tilespmem:$0x8A00] =	vst v63  }
0x18: {  	_ = 	snop  }
0x19: {  	[tilespmem:s15], [sflag:$0x1] =	stream.indirect.gather [hbm4b:s5+s13], $0x20, s12, s13, $0xb8;
	[tilespmem:$0x8A00] =	vst v63  }
0x1a: {  	s20 =	simm.s32 $0x8400  }
0x1b: {  	[tilespmem:s20], [sflag:$0x1] =	stream.indirect.gather [hbm4b:s4+s13], $0x1, s2, s13, $0xb8;
	[tilespmem:$0x8A00] =	vst v63  }
0x1c: {  	s22 =	simm.s32 $0x8600  }
0x1d: {  	[tilespmem:s22], [sflag:$0x1] =	stream.indirect.gather [hbm4b:s7+s13], $0x1, s12, s13, $0xb8;
	[tilespmem:$0x8A00] =	vst v63  }
0x1e: {  	s24 =	simm.s32 $0x1400  }
0x1f: {  	[tilespmem:s24], [sflag:$0x1] =	stream.indirect.gather [hbm4b:s3+s13], $0x20, s13, s13, $0xb8;
	[tilespmem:$0x8A00] =	vst v63  }
0x20: {  	s25 =	simm.s32 $0x5400  }
0x21: {  	[tilespmem:s25], [sflag:$0x1] =	stream.indirect.gather [hbm4b:s5+s13], $0x20, s17, s13, $0xb8;
	[tilespmem:$0x8A00] =	vst v63  }
0x22: {  	s25 =	simm.s32 $0x8480  }
0x23: {  	[tilespmem:s25], [sflag:$0x1] =	stream.indirect.gather [hbm4b:s4+s13], $0x1, s13, s13, $0xb8;
	[tilespmem:$0x8A00] =	vst v63  }
0x24: {  	s25 =	simm.s32 $0x8680  }
0x25: {  	[tilespmem:s25], [sflag:$0x1] =	stream.indirect.gather [hbm4b:s7+s13], $0x1, s17, s13, $0xb8;
	[tilespmem:$0x8A00] =	vst v63  }
0x26: {  	s25 =	simm.s32 $0x2400  }
0x27: {  	[tilespmem:s25], [sflag:$0x1] =	stream.indirect.gather [hbm4b:s3+s13], $0x20, s21, s13, $0xb8;
	[tilespmem:$0x8A00] =	vst v63  }
0x28: {  	s25 =	simm.s32 $0x6400  }
0x29: {  	[tilespmem:s25], [sflag:$0x1] =	stream.indirect.gather [hbm4b:s5+s13], $0x20, s23, s13, $0xb8;
	[tilespmem:$0x8A00] =	vst v63  }
0x2a: {  	s25 =	simm.s32 $0x8500  }
0x2b: {  	[tilespmem:s25], [sflag:$0x1] =	stream.indirect.gather [hbm4b:s4+s13], $0x1, s21, s13, $0xb8;
	[tilespmem:$0x8A00] =	vst v63  }
0x2c: {  	_ = 	snop  }
0x2d: {  	[tilespmem:s26], [sflag:$0x1] =	stream.indirect.gather [hbm4b:s7+s13], $0x1, s23, s13, $0xb8;
	[tilespmem:$0x8A00] =	vst v63  }
0x2e: {  	_ = 	snop  }
0x2f: {  	[tilespmem:s29], [sflag:$0x1] =	stream.indirect.gather [hbm4b:s3+s13], $0x20, s28, s13, $0xb8;
	[tilespmem:$0x8A00] =	vst v63  }
0x30: {  	_ = 	snop  }
0x31: {  	[tilespmem:s31], [sflag:$0x1] =	stream.indirect.gather [hbm4b:s5+s13], $0x20, s30, s13, $0xb8;
	[tilespmem:$0x8A00] =	vst v63  }
0x32: {  	_ = 	snop  }
0x33: {  	[tilespmem:s0], [sflag:$0x1] =	stream.indirect.gather [hbm4b:s4+s13], $0x1, s28, s13, $0xb8;
	[tilespmem:$0x8A00] =	vst v63  }
0x34: {  	_ = 	snop  }
0x35: {  	[tilespmem:s1], [sflag:$0x1] =	stream.indirect.gather [hbm4b:s7+s13], $0x1, s30, s13, $0xb8;
	[tilespmem:$0x8A00] =	vst v63  }
0x36: {  	_ =	swait.ge [sflag:s16], $0x1000  }
0x37: {  	[sflag:s16] =	ssyncset.done $0x0  }
0x38: {  	[sflag:s16] =	ssyncadd.s32 $0xFFFFF000  }
0x39: {  	_ =	swait.ge [sflag:s16], $0x1000  }
0x3a: {  	[sflag:s16] =	ssyncset.done $0x0  }
0x3b: {  	[sflag:s16] =	ssyncadd.s32 $0xFFFFF000  }
0x3c: {  	_ =	swait.ge [sflag:s16], $0x80  }
0x3d: {  	[sflag:s16] =	ssyncset.done $0x0  }
0x3e: {  	[sflag:s16] =	ssyncadd.s32 $0xFFFFFF80  }
0x3f: {  	_ =	swait.ge [sflag:s16], $0x80  }
0x40: {  	[sflag:s16] =	ssyncset.done $0x0  }
0x41: {  	[sflag:s16] =	ssyncadd.s32 $0xFFFFFF80  }
0x42: {  	_ =	swait.ge [sflag:s16], $0x1000  }
0x43: {  	[sflag:s16] =	ssyncset.done $0x0  }
0x44: {  	[sflag:s16] =	ssyncadd.s32 $0xFFFFF000  }
0x45: {  	_ =	swait.ge [sflag:s16], $0x1000  }
0x46: {  	[sflag:s16] =	ssyncset.done $0x0  }
0x47: {  	[sflag:s16] =	ssyncadd.s32 $0xFFFFF000  }
0x48: {  	_ =	swait.ge [sflag:s16], $0x80  }
0x49: {  	[sflag:s16] =	ssyncset.done $0x0  }
0x4a: {  	[sflag:s16] =	ssyncadd.s32 $0xFFFFFF80  }
0x4b: {  	_ =	swait.ge [sflag:s16], $0x80  }
0x4c: {  	[sflag:s16] =	ssyncset.done $0x0  }
0x4d: {  	[sflag:s16] =	ssyncadd.s32 $0xFFFFFF80  }
0x4e: {  	_ =	swait.ge [sflag:s16], $0x1000  }
0x4f: {  	[sflag:s16] =	ssyncset.done $0x0  }
0x50: {  	[sflag:s16] =	ssyncadd.s32 $0xFFFFF000  }
0x51: {  	_ =	swait.ge [sflag:s16], $0x1000  }
0x52: {  	[sflag:s16] =	ssyncset.done $0x0  }
0x53: {  	[sflag:s16] =	ssyncadd.s32 $0xFFFFF000  }
0x54: {  	_ =	swait.ge [sflag:s16], $0x80  }
0x55: {  	[sflag:s16] =	ssyncset.done $0x0  }
0x56: {  	[sflag:s16] =	ssyncadd.s32 $0xFFFFFF80  }
0x57: {  	_ =	swait.ge [sflag:s16], $0x80  }
0x58: {  	[sflag:s16] =	ssyncset.done $0x0  }
0x59: {  	[sflag:s16] =	ssyncadd.s32 $0xFFFFFF80  }
0x5a: {  	_ =	swait.ge [sflag:s16], $0x1000  }
0x5b: {  	[sflag:s16] =	ssyncset.done $0x0  }
0x5c: {  	[sflag:s16] =	ssyncadd.s32 $0xFFFFF000  }
0x5d: {  	_ =	swait.ge [sflag:s16], $0x1000  }
0x5e: {  	[sflag:s16] =	ssyncset.done $0x0  }
0x5f: {  	[sflag:s16] =	ssyncadd.s32 $0xFFFFF000  }
0x60: {  	v1 =	vmov s2;
	_ =	swait.ge [sflag:s16], $0x80  }
0x61: {  	v1 =	vshll.u32 v1, $0x5;
	[sflag:s16] =	ssyncset.done $0x0  }
0x62: {  	v1 =	vor.u32 v0, v1;
	[sflag:s16] =	ssyncadd.s32 $0xFFFFFF80  }
0x63: {  	_ =	swait.ge [sflag:s16], $0x80  }
0x64: {  	[sflag:s16] =	ssyncset.done $0x0  }
0x65: {  	v2 =	vor.u32 $0x1, v1;
	[sflag:s16] =	ssyncadd.s32 $0xFFFFFF80  }
0x66: {  	v3 =	vld [tilespmem:s22+$0x0]  }
0x67: {  	v4 =	vor.u32 $0x2, v1;
	v5 =	vld.idx.msk [tilespmem:v1+s14+$0x0], $0xffff  }
0x68: {  	v6 =	vld.idx.msk [tilespmem:v1+s15+$0x0], $0xffff  }
0x69: {  	v7 =	vor.u32 $0x3, v1;
	v8 =	vld [tilespmem:s20+$0x0]  }
0x6a: {  	v9 =	vld.idx.msk [tilespmem:v2+s14+$0x0], $0xffff  }
0x6b: {  	v10 =	vor.u32 $0x4, v1;
	v2 =	vld.idx.msk [tilespmem:v2+s15+$0x0], $0xffff  }
0x6c: {  	v11 =	vld.idx.msk [tilespmem:v4+s14+$0x0], $0xffff  }
0x6d: {  	v12 =	vor.u32 $0x5, v1;
	v4 =	vld.idx.msk [tilespmem:v4+s15+$0x0], $0xffff  }
0x6e: {  	v13 =	vld.idx.msk [tilespmem:v7+s14+$0x0], $0xffff;
	v3 =	vadd.f32 v3, v8;
	v5 =	vmul.f32 v6, v5  }
0x6f: {  	v27 =	vor.u32 $0x6, v1;
	v26 =	vld.idx.msk [tilespmem:v7+s15+$0x0], $0xffff  }
0x70: {  	v28 =	vld.idx.msk [tilespmem:v10+s14+$0x0], $0xffff;
	v2 =	vmul.f32 v2, v9;
	v3 =	vadd.f32 v5, v3  }
0x71: {  	v29 =	vor.u32 $0x7, v1;
	v5 =	vld.idx.msk [tilespmem:v10+s15+$0x0], $0xffff  }
0x72: {  	v30 =	vld.idx.msk [tilespmem:v12+s14+$0x0], $0xffff;
	v2 =	vadd.f32 v2, v3;
	v3 =	vmul.f32 v4, v11  }
0x73: {  	v31 =	vor.u32 $0x8, v1;
	v4 =	vld.idx.msk [tilespmem:v12+s15+$0x0], $0xffff  }
0x74: {  	v32 =	vld.idx.msk [tilespmem:v27+s14+$0x0], $0xffff;
	v2 =	vadd.f32 v3, v2;
	v3 =	vmul.f32 v26, v13  }
0x75: {  	v34 =	vor.u32 $0x9, v1;
	v33 =	vld.idx.msk [tilespmem:v27+s15+$0x0], $0xffff  }
0x76: {  	v35 =	vld.idx.msk [tilespmem:v29+s14+$0x0], $0xffff;
	v2 =	vadd.f32 v3, v2;
	v3 =	vmul.f32 v5, v28  }
0x77: {  	v36 =	vor.u32 $0xA, v1;
	v5 =	vld.idx.msk [tilespmem:v29+s15+$0x0], $0xffff  }
0x78: {  	v37 =	vld.idx.msk [tilespmem:v31+s14+$0x0], $0xffff;
	v2 =	vadd.f32 v3, v2;
	v3 =	vmul.f32 v4, v30  }
0x79: {  	v38 =	vor.u32 $0xB, v1;
	v4 =	vld.idx.msk [tilespmem:v31+s15+$0x0], $0xffff  }
0x7a: {  	v39 =	vld.idx.msk [tilespmem:v34+s14+$0x0], $0xffff;
	v2 =	vadd.f32 v3, v2;
	v3 =	vmul.f32 v33, v32  }
0x7b: {  	v41 =	vor.u32 $0xC, v1;
	v40 =	vld.idx.msk [tilespmem:v34+s15+$0x0], $0xffff  }
0x7c: {  	v42 =	vld.idx.msk [tilespmem:v36+s14+$0x0], $0xffff;
	v2 =	vadd.f32 v3, v2;
	v3 =	vmul.f32 v5, v35  }
0x7d: {  	v43 =	vor.u32 $0xD, v1;
	v5 =	vld.idx.msk [tilespmem:v36+s15+$0x0], $0xffff  }
0x7e: {  	v44 =	vld.idx.msk [tilespmem:v38+s14+$0x0], $0xffff;
	v2 =	vadd.f32 v3, v2;
	v3 =	vmul.f32 v4, v37  }
0x7f: {  	v45 =	vor.u32 $0xE, v1;
	v4 =	vld.idx.msk [tilespmem:v38+s15+$0x0], $0xffff  }
0x80: {  	v46 =	vld.idx.msk [tilespmem:v41+s14+$0x0], $0xffff;
	v2 =	vadd.f32 v3, v2;
	v3 =	vmul.f32 v40, v39  }
0x81: {  	v48 =	vor.u32 $0xF, v1;
	v47 =	vld.idx.msk [tilespmem:v41+s15+$0x0], $0xffff  }
0x82: {  	v49 =	vld.idx.msk [tilespmem:v43+s14+$0x0], $0xffff;
	v2 =	vadd.f32 v3, v2;
	v3 =	vmul.f32 v5, v42  }
0x83: {  	v50 =	vor.u32 $0x10, v1;
	v5 =	vld.idx.msk [tilespmem:v43+s15+$0x0], $0xffff  }
0x84: {  	v51 =	vld.idx.msk [tilespmem:v45+s14+$0x0], $0xffff;
	v2 =	vadd.f32 v3, v2;
	v3 =	vmul.f32 v4, v44  }
0x85: {  	v52 =	vor.u32 $0x11, v1;
	v4 =	vld.idx.msk [tilespmem:v45+s15+$0x0], $0xffff  }
0x86: {  	v53 =	vld.idx.msk [tilespmem:v48+s14+$0x0], $0xffff;
	v2 =	vadd.f32 v3, v2;
	v3 =	vmul.f32 v47, v46  }
0x87: {  	v55 =	vor.u32 $0x12, v1;
	v54 =	vld.idx.msk [tilespmem:v48+s15+$0x0], $0xffff  }
0x88: {  	v56 =	vld.idx.msk [tilespmem:v50+s14+$0x0], $0xffff;
	v2 =	vadd.f32 v3, v2;
	v3 =	vmul.f32 v5, v49  }
0x89: {  	v57 =	vor.u32 $0x13, v1;
	v5 =	vld.idx.msk [tilespmem:v50+s15+$0x0], $0xffff  }
0x8a: {  	v58 =	vld.idx.msk [tilespmem:v52+s14+$0x0], $0xffff;
	v2 =	vadd.f32 v3, v2;
	v3 =	vmul.f32 v4, v51  }
0x8b: {  	v59 =	vor.u32 $0x14, v1;
	v4 =	vld.idx.msk [tilespmem:v52+s15+$0x0], $0xffff  }
0x8c: {  	v60 =	vld.idx.msk [tilespmem:v55+s14+$0x0], $0xffff;
	v2 =	vadd.f32 v3, v2;
	v3 =	vmul.f32 v54, v53  }
0x8d: {  	v62 =	vor.u32 $0x15, v1;
	v61 =	vld.idx.msk [tilespmem:v55+s15+$0x0], $0xffff  }
0x8e: {  	v63 =	vld.idx.msk [tilespmem:v57+s14+$0x0], $0xffff;
	v2 =	vadd.f32 v3, v2;
	v3 =	vmul.f32 v5, v56  }
0x8f: {  	v16 =	vor.u32 $0x16, v1;
	v5 =	vld.idx.msk [tilespmem:v57+s15+$0x0], $0xffff  }
0x90: {  	v17 =	vld.idx.msk [tilespmem:v59+s14+$0x0], $0xffff;
	v2 =	vadd.f32 v3, v2;
	v3 =	vmul.f32 v4, v58  }
0x91: {  	v18 =	vor.u32 $0x17, v1;
	v4 =	vld.idx.msk [tilespmem:v59+s15+$0x0], $0xffff  }
0x92: {  	v19 =	vld.idx.msk [tilespmem:v62+s14+$0x0], $0xffff;
	v2 =	vadd.f32 v3, v2;
	v3 =	vmul.f32 v61, v60  }
0x93: {  	v21 =	vor.u32 $0x18, v1;
	v20 =	vld.idx.msk [tilespmem:v62+s15+$0x0], $0xffff  }
0x94: {  	v22 =	vld.idx.msk [tilespmem:v16+s14+$0x0], $0xffff;
	v2 =	vadd.f32 v3, v2;
	v3 =	vmul.f32 v5, v63  }
0x95: {  	v23 =	vor.u32 $0x19, v1;
	v5 =	vld.idx.msk [tilespmem:v16+s15+$0x0], $0xffff  }
0x96: {  	v24 =	vld.idx.msk [tilespmem:v18+s14+$0x0], $0xffff;
	v2 =	vadd.f32 v3, v2;
	v3 =	vmul.f32 v4, v17  }
0x97: {  	v25 =	vor.u32 $0x1A, v1;
	v4 =	vld.idx.msk [tilespmem:v18+s15+$0x0], $0xffff  }
0x98: {  	v27 =	vld.idx.msk [tilespmem:v21+s15+$0x0], $0xffff;
	v2 =	vadd.f32 v3, v2;
	v3 =	vmul.f32 v20, v19  }
0x99: {  	v26 =	vld.idx.msk [tilespmem:v21+s14+$0x0], $0xffff;
	v28 =	vor.u32 $0x1B, v1  }
0x9a: {  	v29 =	vld.idx.msk [tilespmem:v23+s14+$0x0], $0xffff;
	v2 =	vadd.f32 v3, v2;
	v3 =	vmul.f32 v5, v22  }
0x9b: {  	v30 =	vor.u32 $0x1C, v1;
	v5 =	vld.idx.msk [tilespmem:v23+s15+$0x0], $0xffff  }
0x9c: {  	v31 =	vld.idx.msk [tilespmem:v25+s14+$0x0], $0xffff;
	v2 =	vadd.f32 v3, v2;
	v3 =	vmul.f32 v4, v24  }
0x9d: {  	v32 =	vor.u32 $0x1D, v1;
	v4 =	vld.idx.msk [tilespmem:v25+s15+$0x0], $0xffff  }
0x9e: {  	v33 =	vld.idx.msk [tilespmem:v28+s14+$0x0], $0xffff;
	v2 =	vadd.f32 v3, v2;
	v3 =	vmul.f32 v27, v26  }
0x9f: {  	v34 =	vld.idx.msk [tilespmem:v28+s15+$0x0], $0xffff;
	v35 =	vor.u32 $0x1E, v1  }
0xa0: {  	v36 =	vld.idx.msk [tilespmem:v30+s14+$0x0], $0xffff;
	v2 =	vadd.f32 v3, v2;
	v3 =	vmul.f32 v5, v29  }
0xa1: {  	v1 =	vor.u32 $0x1F, v1;
	v5 =	vld.idx.msk [tilespmem:v30+s15+$0x0], $0xffff  }
0xa2: {  	v37 =	vld.idx.msk [tilespmem:v32+s14+$0x0], $0xffff;
	v2 =	vadd.f32 v3, v2;
	v3 =	vmul.f32 v4, v31  }
0xa3: {  	v4 =	vld.idx.msk [tilespmem:v32+s15+$0x0], $0xffff  }
0xa4: {  	v38 =	vld.idx.msk [tilespmem:v35+s14+$0x0], $0xffff;
	v2 =	vadd.f32 v3, v2;
	v3 =	vmul.f32 v34, v33  }
0xa5: {  	v39 =	vld.idx.msk [tilespmem:v35+s15+$0x0], $0xffff  }
0xa6: {  	v40 =	vld.idx.msk [tilespmem:v1+s14+$0x0], $0xffff;
	v2 =	vadd.f32 v3, v2;
	v3 =	vmul.f32 v5, v36  }
0xa7: {  	v1 =	vld.idx.msk [tilespmem:v1+s15+$0x0], $0xffff  }
0xa8: {  	v2 =	vadd.f32 v3, v2;
	v3 =	vmul.f32 v4, v37;
	_ =	sdelay $0x1  }
0xa9: {  	v2 =	vadd.f32 v3, v2;
	v3 =	vmul.f32 v39, v38;
	_ =	sdelay $0x1  }
0xaa: {  	v1 =	vmul.f32 v1, v40;
	v2 =	vadd.f32 v3, v2;
	_ =	sdelay $0x1  }
0xab: {  	v1 =	vadd.f32 v1, v2;
	_ =	sdelay $0x1  }
0xac: {  	v1 =	vsub.f32 $0.0e+00, v1;
	_ =	sdelay $0x1  }
0xad: {  	v1 =	vmul.f32 $1.442695020e+00, v1;
	_ =	sdelay $0x1  }
0xae: {  	(erf) = vpow2.f32 v1;
	_ =	sdelay $0x8  }
0xaf: {  	v1 =	vpop (erf)  }
0xb0: {  	v1 =	vadd.f32 $1.000000000e+00, v1;
	_ =	sdelay $0x1  }
0xb1: {  	(erf) = vrcp.f32 v1;
	_ =	sdelay $0x5  }
0xb2: {  	s24 =	simm.s32 $0x10  }
0xb3: {  	v1 =	vmov s24  }
0xb4: {  	v1 =	vshll.u32 v1, $0x5  }
0xb5: {  	v1 =	vor.u32 v0, v1;
	v2 =	vpop (erf)  }
0xb6: {  	v2 =	vmul.f32 $1.049999950e+00, v2;
	_ =	sdelay $0x1  }
0xb7: {  	s20 =	simm.s32 $0x8610;
	v3 =	vor.u32 $0x1, v1;
	[tilespmem:s18+$0x0] =	vst v2  }
0xb8: {  	v2 =	vld [tilespmem:s20+$0x0]  }
0xb9: {  	v4 =	vor.u32 $0x2, v1;
	v5 =	vld.idx.msk [tilespmem:v1+s14+$0x0], $0xffff  }
0xba: {  	s22 =	simm.s32 $0x8410;
	v41 =	vld.idx.msk [tilespmem:v1+s15+$0x0], $0xffff  }
0xbb: {  	v42 =	vor.u32 $0x3, v1;
	v43 =	vld [tilespmem:s22+$0x0]  }
0xbc: {  	v44 =	vld.idx.msk [tilespmem:v3+s14+$0x0], $0xffff  }
0xbd: {  	v45 =	vor.u32 $0x4, v1;
	v3 =	vld.idx.msk [tilespmem:v3+s15+$0x0], $0xffff  }
0xbe: {  	v46 =	vld.idx.msk [tilespmem:v4+s14+$0x0], $0xffff  }
0xbf: {  	v47 =	vor.u32 $0x5, v1;
	v4 =	vld.idx.msk [tilespmem:v4+s15+$0x0], $0xffff  }
0xc0: {  	v48 =	vld.idx.msk [tilespmem:v42+s14+$0x0], $0xffff;
	v2 =	vadd.f32 v2, v43;
	v5 =	vmul.f32 v41, v5  }
0xc1: {  	v50 =	vor.u32 $0x6, v1;
	v49 =	vld.idx.msk [tilespmem:v42+s15+$0x0], $0xffff  }
0xc2: {  	v51 =	vld.idx.msk [tilespmem:v45+s14+$0x0], $0xffff;
	v3 =	vmul.f32 v3, v44;
	v2 =	vadd.f32 v5, v2  }
0xc3: {  	v52 =	vor.u32 $0x7, v1;
	v5 =	vld.idx.msk [tilespmem:v45+s15+$0x0], $0xffff  }
0xc4: {  	v53 =	vld.idx.msk [tilespmem:v47+s14+$0x0], $0xffff;
	v2 =	vadd.f32 v3, v2;
	v3 =	vmul.f32 v4, v46  }
0xc5: {  	v54 =	vor.u32 $0x8, v1;
	v4 =	vld.idx.msk [tilespmem:v47+s15+$0x0], $0xffff  }
0xc6: {  	v55 =	vld.idx.msk [tilespmem:v50+s14+$0x0], $0xffff;
	v2 =	vadd.f32 v3, v2;
	v3 =	vmul.f32 v49, v48  }
0xc7: {  	v57 =	vor.u32 $0x9, v1;
	v56 =	vld.idx.msk [tilespmem:v50+s15+$0x0], $0xffff  }
0xc8: {  	v58 =	vld.idx.msk [tilespmem:v52+s14+$0x0], $0xffff;
	v2 =	vadd.f32 v3, v2;
	v3 =	vmul.f32 v5, v51  }
0xc9: {  	v59 =	vor.u32 $0xA, v1;
	v5 =	vld.idx.msk [tilespmem:v52+s15+$0x0], $0xffff  }
0xca: {  	v60 =	vld.idx.msk [tilespmem:v54+s14+$0x0], $0xffff;
	v2 =	vadd.f32 v3, v2;
	v3 =	vmul.f32 v4, v53  }
0xcb: {  	v61 =	vor.u32 $0xB, v1;
	v4 =	vld.idx.msk [tilespmem:v54+s15+$0x0], $0xffff  }
0xcc: {  	v62 =	vld.idx.msk [tilespmem:v57+s14+$0x0], $0xffff;
	v2 =	vadd.f32 v3, v2;
	v3 =	vmul.f32 v56, v55  }
0xcd: {  	v16 =	vor.u32 $0xC, v1;
	v63 =	vld.idx.msk [tilespmem:v57+s15+$0x0], $0xffff  }
0xce: {  	v17 =	vld.idx.msk [tilespmem:v59+s14+$0x0], $0xffff;
	v2 =	vadd.f32 v3, v2;
	v3 =	vmul.f32 v5, v58  }
0xcf: {  	v18 =	vor.u32 $0xD, v1;
	v5 =	vld.idx.msk [tilespmem:v59+s15+$0x0], $0xffff  }
0xd0: {  	v19 =	vld.idx.msk [tilespmem:v61+s14+$0x0], $0xffff;
	v2 =	vadd.f32 v3, v2;
	v3 =	vmul.f32 v4, v60  }
0xd1: {  	v20 =	vor.u32 $0xE, v1;
	v4 =	vld.idx.msk [tilespmem:v61+s15+$0x0], $0xffff  }
0xd2: {  	v21 =	vld.idx.msk [tilespmem:v16+s14+$0x0], $0xffff;
	v2 =	vadd.f32 v3, v2;
	v3 =	vmul.f32 v63, v62  }
0xd3: {  	v23 =	vor.u32 $0xF, v1;
	v22 =	vld.idx.msk [tilespmem:v16+s15+$0x0], $0xffff  }
0xd4: {  	v24 =	vld.idx.msk [tilespmem:v18+s14+$0x0], $0xffff;
	v2 =	vadd.f32 v3, v2;
	v3 =	vmul.f32 v5, v17  }
0xd5: {  	v25 =	vor.u32 $0x10, v1;
	v5 =	vld.idx.msk [tilespmem:v18+s15+$0x0], $0xffff  }
0xd6: {  	v26 =	vld.idx.msk [tilespmem:v20+s14+$0x0], $0xffff;
	v2 =	vadd.f32 v3, v2;
	v3 =	vmul.f32 v4, v19  }
0xd7: {  	v27 =	vor.u32 $0x11, v1;
	v4 =	vld.idx.msk [tilespmem:v20+s15+$0x0], $0xffff  }
0xd8: {  	v28 =	vld.idx.msk [tilespmem:v23+s14+$0x0], $0xffff;
	v2 =	vadd.f32 v3, v2;
	v3 =	vmul.f32 v22, v21  }
0xd9: {  	v30 =	vor.u32 $0x12, v1;
	v29 =	vld.idx.msk [tilespmem:v23+s15+$0x0], $0xffff  }
0xda: {  	v31 =	vld.idx.msk [tilespmem:v25+s14+$0x0], $0xffff;
	v2 =	vadd.f32 v3, v2;
	v3 =	vmul.f32 v5, v24  }
0xdb: {  	v32 =	vor.u32 $0x13, v1;
	v5 =	vld.idx.msk [tilespmem:v25+s15+$0x0], $0xffff  }
0xdc: {  	v33 =	vld.idx.msk [tilespmem:v27+s14+$0x0], $0xffff;
	v2 =	vadd.f32 v3, v2;
	v3 =	vmul.f32 v4, v26  }
0xdd: {  	v34 =	vor.u32 $0x14, v1;
	v4 =	vld.idx.msk [tilespmem:v27+s15+$0x0], $0xffff  }
0xde: {  	v35 =	vld.idx.msk [tilespmem:v30+s14+$0x0], $0xffff;
	v2 =	vadd.f32 v3, v2;
	v3 =	vmul.f32 v29, v28  }
0xdf: {  	v37 =	vor.u32 $0x15, v1;
	v36 =	vld.idx.msk [tilespmem:v30+s15+$0x0], $0xffff  }
0xe0: {  	v38 =	vld.idx.msk [tilespmem:v32+s14+$0x0], $0xffff;
	v2 =	vadd.f32 v3, v2;
	v3 =	vmul.f32 v5, v31  }
0xe1: {  	v39 =	vor.u32 $0x16, v1;
	v5 =	vld.idx.msk [tilespmem:v32+s15+$0x0], $0xffff  }
0xe2: {  	v40 =	vld.idx.msk [tilespmem:v34+s14+$0x0], $0xffff;
	v2 =	vadd.f32 v3, v2;
	v3 =	vmul.f32 v4, v33  }
0xe3: {  	v41 =	vor.u32 $0x17, v1;
	v4 =	vld.idx.msk [tilespmem:v34+s15+$0x0], $0xffff  }
0xe4: {  	v42 =	vld.idx.msk [tilespmem:v37+s14+$0x0], $0xffff;
	v2 =	vadd.f32 v3, v2;
	v3 =	vmul.f32 v36, v35  }
0xe5: {  	v43 =	vld.idx.msk [tilespmem:v37+s15+$0x0], $0xffff;
	v44 =	vor.u32 $0x18, v1  }
0xe6: {  	v45 =	vld.idx.msk [tilespmem:v39+s14+$0x0], $0xffff;
	v2 =	vadd.f32 v3, v2;
	v3 =	vmul.f32 v5, v38  }
0xe7: {  	v46 =	vor.u32 $0x19, v1;
	v5 =	vld.idx.msk [tilespmem:v39+s15+$0x0], $0xffff  }
0xe8: {  	v47 =	vld.idx.msk [tilespmem:v41+s14+$0x0], $0xffff;
	v2 =	vadd.f32 v3, v2;
	v3 =	vmul.f32 v4, v40  }
0xe9: {  	v48 =	vor.u32 $0x1A, v1;
	v4 =	vld.idx.msk [tilespmem:v41+s15+$0x0], $0xffff  }
0xea: {  	v50 =	vld.idx.msk [tilespmem:v44+s15+$0x0], $0xffff;
	v2 =	vadd.f32 v3, v2;
	v3 =	vmul.f32 v43, v42  }
0xeb: {  	v49 =	vld.idx.msk [tilespmem:v44+s14+$0x0], $0xffff;
	v51 =	vor.u32 $0x1B, v1  }
0xec: {  	v52 =	vld.idx.msk [tilespmem:v46+s14+$0x0], $0xffff;
	v2 =	vadd.f32 v3, v2;
	v3 =	vmul.f32 v5, v45  }
0xed: {  	v53 =	vor.u32 $0x1C, v1;
	v5 =	vld.idx.msk [tilespmem:v46+s15+$0x0], $0xffff  }
0xee: {  	v54 =	vld.idx.msk [tilespmem:v48+s14+$0x0], $0xffff;
	v2 =	vadd.f32 v3, v2;
	v3 =	vmul.f32 v4, v47  }
0xef: {  	v55 =	vor.u32 $0x1D, v1;
	v4 =	vld.idx.msk [tilespmem:v48+s15+$0x0], $0xffff  }
0xf0: {  	v56 =	vld.idx.msk [tilespmem:v51+s14+$0x0], $0xffff;
	v2 =	vadd.f32 v3, v2;
	v3 =	vmul.f32 v50, v49  }
0xf1: {  	v57 =	vld.idx.msk [tilespmem:v51+s15+$0x0], $0xffff;
	v58 =	vor.u32 $0x1E, v1  }
0xf2: {  	v59 =	vld.idx.msk [tilespmem:v53+s14+$0x0], $0xffff;
	v2 =	vadd.f32 v3, v2;
	v3 =	vmul.f32 v5, v52  }
0xf3: {  	v1 =	vor.u32 $0x1F, v1;
	v5 =	vld.idx.msk [tilespmem:v53+s15+$0x0], $0xffff  }
0xf4: {  	v60 =	vld.idx.msk [tilespmem:v55+s14+$0x0], $0xffff;
	v2 =	vadd.f32 v3, v2;
	v3 =	vmul.f32 v4, v54  }
0xf5: {  	v4 =	vld.idx.msk [tilespmem:v55+s15+$0x0], $0xffff  }
0xf6: {  	v61 =	vld.idx.msk [tilespmem:v58+s14+$0x0], $0xffff;
	v2 =	vadd.f32 v3, v2;
	v3 =	vmul.f32 v57, v56  }
0xf7: {  	v62 =	vld.idx.msk [tilespmem:v58+s15+$0x0], $0xffff  }
0xf8: {  	v63 =	vld.idx.msk [tilespmem:v1+s14+$0x0], $0xffff;
	v2 =	vadd.f32 v3, v2;
	v3 =	vmul.f32 v5, v59  }
0xf9: {  	v1 =	vld.idx.msk [tilespmem:v1+s15+$0x0], $0xffff  }
0xfa: {  	v2 =	vadd.f32 v3, v2;
	v3 =	vmul.f32 v4, v60;
	_ =	sdelay $0x1  }
0xfb: {  	v2 =	vadd.f32 v3, v2;
	v3 =	vmul.f32 v62, v61;
	_ =	sdelay $0x1  }
0xfc: {  	v1 =	vmul.f32 v1, v63;
	v2 =	vadd.f32 v3, v2;
	_ =	sdelay $0x1  }
0xfd: {  	v1 =	vadd.f32 v1, v2;
	_ =	sdelay $0x1  }
0xfe: {  	v1 =	vsub.f32 $0.0e+00, v1;
	_ =	sdelay $0x1  }
0xff: {  	v1 =	vmul.f32 $1.442695020e+00, v1;
	_ =	sdelay $0x1  }
0x100: {  	(erf) = vpow2.f32 v1;
	_ =	sdelay $0x8  }
0x101: {  	v1 =	vpop (erf)  }
0x102: {  	v1 =	vadd.f32 $1.000000000e+00, v1;
	_ =	sdelay $0x1  }
0x103: {  	(erf) = vrcp.f32 v1;
	_ =	sdelay $0x3  }
0x104: {  	s25 =	simm.s32 $0x20  }
0x105: {  	v1 =	vmov s25  }
0x106: {  	v1 =	vshll.u32 v1, $0x5  }
0x107: {  	v1 =	vor.u32 v0, v1  }
0x108: {  	v2 =	vor.u32 $0x1, v1  }
0x109: {  	s24 =	simm.s32 $0x8800;
	s25 =	simm.s32 $0x30;
	v3 =	vpop (erf)  }
.LBB2_2:
0x10a: {  	p0 =	sne.s32 s25, $0x1F0;
	v3 =	vmul.f32 $1.049999950e+00, v3  }
0x10b: {  	s24 =	sadd.s32 $0x10, s24  }
0x10c: {  	[tilespmem:s24+$0x0] =	vst v3  }
0x10d: {  	s20 =	sadd.s32 $0x10, s20;
	v3 =	vld.idx.msk [tilespmem:v2+s14+$0x0], $0xffff  }
0x10e: {  	v5 =	vor.u32 $0x2, v1;
	v4 =	vld [tilespmem:s20+$0x0]  }
0x10f: {  	v6 =	vld.idx.msk [tilespmem:v1+s14+$0x0], $0xffff  }
0x110: {  	v8 =	vor.u32 $0x3, v1;
	s22 =	sadd.s32 $0x10, s22;
	v7 =	vld.idx.msk [tilespmem:v1+s15+$0x0], $0xffff  }
0x111: {  	v9 =	vld [tilespmem:s22+$0x0]  }
0x112: {  	v10 =	vor.u32 $0x4, v1;
	v2 =	vld.idx.msk [tilespmem:v2+s15+$0x0], $0xffff  }
0x113: {  	v11 =	vld.idx.msk [tilespmem:v5+s14+$0x0], $0xffff  }
0x114: {  	v12 =	vor.u32 $0x5, v1;
	v5 =	vld.idx.msk [tilespmem:v5+s15+$0x0], $0xffff  }
0x115: {  	v13 =	vld.idx.msk [tilespmem:v8+s14+$0x0], $0xffff  }
0x116: {  	v6 =	vmul.f32 v7, v6;
	v4 =	vadd.f32 v4, v9;
	v7 =	vld.idx.msk [tilespmem:v8+s15+$0x0], $0xffff;
	v8 =	vor.u32 $0x6, v1  }
0x117: {  	v9 =	vld.idx.msk [tilespmem:v10+s14+$0x0], $0xffff  }
0x118: {  	v2 =	vmul.f32 v2, v3;
	v4 =	vadd.f32 v6, v4;
	v3 =	vld.idx.msk [tilespmem:v10+s15+$0x0], $0xffff;
	v6 =	vor.u32 $0x7, v1  }
0x119: {  	v10 =	vld.idx.msk [tilespmem:v12+s14+$0x0], $0xffff  }
0x11a: {  	v2 =	vadd.f32 v2, v4;
	v4 =	vmul.f32 v5, v11;
	v5 =	vld.idx.msk [tilespmem:v12+s15+$0x0], $0xffff;
	v11 =	vor.u32 $0x8, v1  }
0x11b: {  	v12 =	vld.idx.msk [tilespmem:v8+s14+$0x0], $0xffff  }
0x11c: {  	v2 =	vadd.f32 v4, v2;
	v4 =	vmul.f32 v7, v13;
	v7 =	vld.idx.msk [tilespmem:v8+s15+$0x0], $0xffff;
	v8 =	vor.u32 $0x9, v1  }
0x11d: {  	v13 =	vld.idx.msk [tilespmem:v6+s14+$0x0], $0xffff  }
0x11e: {  	v3 =	vmul.f32 v3, v9;
	v2 =	vadd.f32 v4, v2;
	v4 =	vld.idx.msk [tilespmem:v6+s15+$0x0], $0xffff;
	v6 =	vor.u32 $0xA, v1  }
0x11f: {  	v9 =	vld.idx.msk [tilespmem:v11+s14+$0x0], $0xffff  }
0x120: {  	v2 =	vadd.f32 v3, v2;
	v3 =	vmul.f32 v5, v10;
	v5 =	vld.idx.msk [tilespmem:v11+s15+$0x0], $0xffff;
	v10 =	vor.u32 $0xB, v1  }
0x121: {  	v11 =	vld.idx.msk [tilespmem:v8+s14+$0x0], $0xffff  }
0x122: {  	v2 =	vadd.f32 v3, v2;
	v3 =	vmul.f32 v7, v12;
	v7 =	vld.idx.msk [tilespmem:v8+s15+$0x0], $0xffff;
	v8 =	vor.u32 $0xC, v1  }
0x123: {  	v12 =	vld.idx.msk [tilespmem:v6+s14+$0x0], $0xffff  }
0x124: {  	v2 =	vadd.f32 v3, v2;
	v3 =	vmul.f32 v4, v13;
	v4 =	vld.idx.msk [tilespmem:v6+s15+$0x0], $0xffff;
	v6 =	vor.u32 $0xD, v1  }
0x125: {  	v13 =	vld.idx.msk [tilespmem:v10+s14+$0x0], $0xffff  }
0x126: {  	v2 =	vadd.f32 v3, v2;
	v3 =	vmul.f32 v5, v9;
	v5 =	vld.idx.msk [tilespmem:v10+s15+$0x0], $0xffff;
	v9 =	vor.u32 $0xE, v1  }
0x127: {  	v10 =	vld.idx.msk [tilespmem:v8+s14+$0x0], $0xffff  }
0x128: {  	v2 =	vadd.f32 v3, v2;
	v3 =	vmul.f32 v7, v11;
	v7 =	vld.idx.msk [tilespmem:v8+s15+$0x0], $0xffff;
	v8 =	vor.u32 $0xF, v1  }
0x129: {  	v11 =	vld.idx.msk [tilespmem:v6+s14+$0x0], $0xffff  }
0x12a: {  	v2 =	vadd.f32 v3, v2;
	v3 =	vmul.f32 v4, v12;
	v4 =	vld.idx.msk [tilespmem:v6+s15+$0x0], $0xffff;
	v6 =	vor.u32 $0x10, v1  }
0x12b: {  	v12 =	vld.idx.msk [tilespmem:v9+s14+$0x0], $0xffff  }
0x12c: {  	v2 =	vadd.f32 v3, v2;
	v3 =	vmul.f32 v5, v13;
	v5 =	vld.idx.msk [tilespmem:v9+s15+$0x0], $0xffff;
	v9 =	vor.u32 $0x11, v1  }
0x12d: {  	v13 =	vld.idx.msk [tilespmem:v8+s14+$0x0], $0xffff  }
0x12e: {  	v2 =	vadd.f32 v3, v2;
	v3 =	vmul.f32 v7, v10;
	v7 =	vld.idx.msk [tilespmem:v8+s15+$0x0], $0xffff;
	v8 =	vor.u32 $0x12, v1  }
0x12f: {  	v10 =	vld.idx.msk [tilespmem:v6+s14+$0x0], $0xffff  }
0x130: {  	v2 =	vadd.f32 v3, v2;
	v3 =	vmul.f32 v4, v11;
	v4 =	vld.idx.msk [tilespmem:v6+s15+$0x0], $0xffff;
	v6 =	vor.u32 $0x13, v1  }
0x131: {  	v11 =	vld.idx.msk [tilespmem:v9+s14+$0x0], $0xffff  }
0x132: {  	v2 =	vadd.f32 v3, v2;
	v3 =	vmul.f32 v5, v12;
	v5 =	vld.idx.msk [tilespmem:v9+s15+$0x0], $0xffff;
	v9 =	vor.u32 $0x14, v1  }
0x133: {  	v12 =	vld.idx.msk [tilespmem:v8+s14+$0x0], $0xffff  }
0x134: {  	v2 =	vadd.f32 v3, v2;
	v3 =	vmul.f32 v7, v13;
	v7 =	vld.idx.msk [tilespmem:v8+s15+$0x0], $0xffff;
	v8 =	vor.u32 $0x15, v1  }
0x135: {  	v13 =	vld.idx.msk [tilespmem:v6+s14+$0x0], $0xffff  }
0x136: {  	v2 =	vadd.f32 v3, v2;
	v3 =	vmul.f32 v4, v10;
	v4 =	vld.idx.msk [tilespmem:v6+s15+$0x0], $0xffff;
	v6 =	vor.u32 $0x16, v1  }
0x137: {  	v10 =	vld.idx.msk [tilespmem:v9+s14+$0x0], $0xffff  }
0x138: {  	v2 =	vadd.f32 v3, v2;
	v3 =	vmul.f32 v5, v11;
	v5 =	vld.idx.msk [tilespmem:v9+s15+$0x0], $0xffff;
	v9 =	vor.u32 $0x17, v1  }
0x139: {  	v11 =	vld.idx.msk [tilespmem:v8+s14+$0x0], $0xffff  }
0x13a: {  	v2 =	vadd.f32 v3, v2;
	v3 =	vmul.f32 v7, v12;
	v7 =	vld.idx.msk [tilespmem:v8+s15+$0x0], $0xffff;
	v8 =	vor.u32 $0x18, v1  }
0x13b: {  	v12 =	vld.idx.msk [tilespmem:v6+s14+$0x0], $0xffff  }
0x13c: {  	v2 =	vadd.f32 v3, v2;
	v3 =	vmul.f32 v4, v13;
	v4 =	vld.idx.msk [tilespmem:v6+s15+$0x0], $0xffff;
	v6 =	vor.u32 $0x19, v1  }
0x13d: {  	v13 =	vld.idx.msk [tilespmem:v9+s14+$0x0], $0xffff  }
0x13e: {  	v2 =	vadd.f32 v3, v2;
	v3 =	vmul.f32 v5, v10;
	v5 =	vld.idx.msk [tilespmem:v9+s15+$0x0], $0xffff;
	v9 =	vor.u32 $0x1A, v1  }
0x13f: {  	v10 =	vld.idx.msk [tilespmem:v8+s14+$0x0], $0xffff  }
0x140: {  	v2 =	vadd.f32 v3, v2;
	v3 =	vmul.f32 v7, v11;
	v7 =	vld.idx.msk [tilespmem:v8+s15+$0x0], $0xffff;
	v8 =	vor.u32 $0x1B, v1  }
0x141: {  	v11 =	vld.idx.msk [tilespmem:v6+s14+$0x0], $0xffff  }
0x142: {  	v2 =	vadd.f32 v3, v2;
	v3 =	vmul.f32 v4, v12;
	v4 =	vld.idx.msk [tilespmem:v6+s15+$0x0], $0xffff;
	v6 =	vor.u32 $0x1C, v1  }
0x143: {  	v12 =	vld.idx.msk [tilespmem:v9+s14+$0x0], $0xffff  }
0x144: {  	v2 =	vadd.f32 v3, v2;
	v3 =	vmul.f32 v5, v13;
	v5 =	vld.idx.msk [tilespmem:v9+s15+$0x0], $0xffff;
	v9 =	vor.u32 $0x1D, v1  }
0x145: {  	v13 =	vld.idx.msk [tilespmem:v8+s14+$0x0], $0xffff  }
0x146: {  	v2 =	vadd.f32 v3, v2;
	v3 =	vmul.f32 v7, v10;
	v7 =	vld.idx.msk [tilespmem:v8+s15+$0x0], $0xffff;
	v8 =	vor.u32 $0x1E, v1  }
0x147: {  	v10 =	vld.idx.msk [tilespmem:v6+s14+$0x0], $0xffff  }
0x148: {  	v1 =	vor.u32 $0x1F, v1;
	v2 =	vadd.f32 v3, v2;
	v3 =	vmul.f32 v4, v11;
	v4 =	vld.idx.msk [tilespmem:v6+s15+$0x0], $0xffff  }
0x149: {  	v6 =	vld.idx.msk [tilespmem:v9+s14+$0x0], $0xffff  }
0x14a: {  	v2 =	vadd.f32 v3, v2;
	v3 =	vmul.f32 v5, v12;
	v5 =	vld.idx.msk [tilespmem:v9+s15+$0x0], $0xffff  }
0x14b: {  	v9 =	vld.idx.msk [tilespmem:v8+s14+$0x0], $0xffff  }
0x14c: {  	v2 =	vadd.f32 v3, v2;
	v3 =	vmul.f32 v7, v13;
	v7 =	vld.idx.msk [tilespmem:v8+s15+$0x0], $0xffff  }
0x14d: {  	v8 =	vld.idx.msk [tilespmem:v1+s14+$0x0], $0xffff  }
0x14e: {  	v2 =	vadd.f32 v3, v2;
	v3 =	vmul.f32 v4, v10;
	v1 =	vld.idx.msk [tilespmem:v1+s15+$0x0], $0xffff;
	_ =	sdelay $0x1  }
0x14f: {  	v2 =	vadd.f32 v3, v2;
	v3 =	vmul.f32 v5, v6;
	_ =	sdelay $0x1  }
0x150: {  	v2 =	vadd.f32 v3, v2;
	v3 =	vmul.f32 v7, v9;
	_ =	sdelay $0x1  }
0x151: {  	v1 =	vmul.f32 v1, v8;
	v2 =	vadd.f32 v3, v2;
	_ =	sdelay $0x1  }
0x152: {  	v1 =	vadd.f32 v1, v2;
	_ =	sdelay $0x1  }
0x153: {  	v1 =	vsub.f32 $0.0e+00, v1;
	_ =	sdelay $0x1  }
0x154: {  	v1 =	vmul.f32 $1.442695020e+00, v1;
	_ =	sdelay $0x1  }
0x155: {  	(erf) = vpow2.f32 v1;
	_ =	sdelay $0x8  }
0x156: {  	v1 =	vpop (erf)  }
0x157: {  	v1 =	vadd.f32 $1.000000000e+00, v1;
	_ =	sdelay $0x1  }
0x158: {  	(erf) = vrcp.f32 v1;
	_ =	sdelay $0x4  }
.Ltmp0:
0x159: {  	v1 =	vmov s25;
	(pc) =	sbr.rel @p0 .LBB2_2-.Ltmp0, $4  }
0x15a: {  	v1 =	vshll.u32 v1, $0x5  }
0x15b: {  	v1 =	vor.u32 v0, v1  }
0x15c: {  	v2 =	vor.u32 $0x1, v1  }
0x15d: {  	s25 =	sadd.s32 $0x10, s25;
	v3 =	vpop (erf)  }
0x15e: {  	v3 =	vmul.f32 $1.049999950e+00, v3  }
0x15f: {  	s24 =	sadd.s32 $0x10, s24  }
0x160: {  	s20 =	sadd.s32 $0x10, s20;
	[tilespmem:s24+$0x0] =	vst v3  }
0x161: {  	v3 =	vld [tilespmem:s20+$0x0]  }
0x162: {  	v4 =	vor.u32 $0x2, v1;
	v5 =	vld.idx.msk [tilespmem:v1+s14+$0x0], $0xffff  }
0x163: {  	s22 =	sadd.s32 $0x10, s22;
	v6 =	vld.idx.msk [tilespmem:v1+s15+$0x0], $0xffff  }
0x164: {  	v7 =	vor.u32 $0x3, v1;
	v8 =	vld [tilespmem:s22+$0x0]  }
0x165: {  	v9 =	vld.idx.msk [tilespmem:v2+s14+$0x0], $0xffff  }
0x166: {  	v10 =	vor.u32 $0x4, v1;
	v2 =	vld.idx.msk [tilespmem:v2+s15+$0x0], $0xffff  }
0x167: {  	v11 =	vld.idx.msk [tilespmem:v4+s14+$0x0], $0xffff  }
0x168: {  	v12 =	vor.u32 $0x5, v1;
	v4 =	vld.idx.msk [tilespmem:v4+s15+$0x0], $0xffff  }
0x169: {  	v13 =	vld.idx.msk [tilespmem:v7+s14+$0x0], $0xffff;
	v3 =	vadd.f32 v3, v8;
	v5 =	vmul.f32 v6, v5  }
0x16a: {  	v32 =	vor.u32 $0x6, v1;
	v31 =	vld.idx.msk [tilespmem:v7+s15+$0x0], $0xffff  }
0x16b: {  	v33 =	vld.idx.msk [tilespmem:v10+s14+$0x0], $0xffff;
	v2 =	vmul.f32 v2, v9;
	v3 =	vadd.f32 v5, v3  }
0x16c: {  	v35 =	vor.u32 $0x7, v1;
	v34 =	vld.idx.msk [tilespmem:v10+s15+$0x0], $0xffff  }
0x16d: {  	v36 =	vld.idx.msk [tilespmem:v12+s14+$0x0], $0xffff;
	v2 =	vadd.f32 v2, v3;
	v3 =	vmul.f32 v4, v11  }
0x16e: {  	v38 =	vor.u32 $0x8, v1;
	v37 =	vld.idx.msk [tilespmem:v12+s15+$0x0], $0xffff  }
0x16f: {  	v39 =	vld.idx.msk [tilespmem:v32+s14+$0x0], $0xffff;
	v2 =	vadd.f32 v3, v2;
	v3 =	vmul.f32 v31, v13  }
0x170: {  	v41 =	vor.u32 $0x9, v1;
	v40 =	vld.idx.msk [tilespmem:v32+s15+$0x0], $0xffff  }
0x171: {  	v42 =	vld.idx.msk [tilespmem:v35+s14+$0x0], $0xffff;
	v2 =	vadd.f32 v3, v2;
	v3 =	vmul.f32 v34, v33  }
0x172: {  	v44 =	vor.u32 $0xA, v1;
	v43 =	vld.idx.msk [tilespmem:v35+s15+$0x0], $0xffff  }
0x173: {  	v45 =	vld.idx.msk [tilespmem:v38+s14+$0x0], $0xffff;
	v2 =	vadd.f32 v3, v2;
	v3 =	vmul.f32 v37, v36  }
0x174: {  	v47 =	vor.u32 $0xB, v1;
	v46 =	vld.idx.msk [tilespmem:v38+s15+$0x0], $0xffff  }
0x175: {  	v48 =	vld.idx.msk [tilespmem:v41+s14+$0x0], $0xffff;
	v2 =	vadd.f32 v3, v2;
	v3 =	vmul.f32 v40, v39  }
0x176: {  	v50 =	vor.u32 $0xC, v1;
	v49 =	vld.idx.msk [tilespmem:v41+s15+$0x0], $0xffff  }
0x177: {  	v51 =	vld.idx.msk [tilespmem:v44+s14+$0x0], $0xffff;
	v2 =	vadd.f32 v3, v2;
	v3 =	vmul.f32 v43, v42  }
0x178: {  	v53 =	vor.u32 $0xD, v1;
	v52 =	vld.idx.msk [tilespmem:v44+s15+$0x0], $0xffff  }
0x179: {  	v54 =	vld.idx.msk [tilespmem:v47+s14+$0x0], $0xffff;
	v2 =	vadd.f32 v3, v2;
	v3 =	vmul.f32 v46, v45  }
0x17a: {  	v56 =	vor.u32 $0xE, v1;
	v55 =	vld.idx.msk [tilespmem:v47+s15+$0x0], $0xffff  }
0x17b: {  	v57 =	vld.idx.msk [tilespmem:v50+s14+$0x0], $0xffff;
	v2 =	vadd.f32 v3, v2;
	v3 =	vmul.f32 v49, v48  }
0x17c: {  	v59 =	vor.u32 $0xF, v1;
	v58 =	vld.idx.msk [tilespmem:v50+s15+$0x0], $0xffff  }
0x17d: {  	v60 =	vld.idx.msk [tilespmem:v53+s14+$0x0], $0xffff;
	v2 =	vadd.f32 v3, v2;
	v3 =	vmul.f32 v52, v51  }
0x17e: {  	v62 =	vor.u32 $0x10, v1;
	v61 =	vld.idx.msk [tilespmem:v53+s15+$0x0], $0xffff  }
0x17f: {  	v63 =	vld.idx.msk [tilespmem:v56+s14+$0x0], $0xffff;
	v2 =	vadd.f32 v3, v2;
	v3 =	vmul.f32 v55, v54  }
0x180: {  	v17 =	vor.u32 $0x11, v1;
	v16 =	vld.idx.msk [tilespmem:v56+s15+$0x0], $0xffff  }
0x181: {  	v18 =	vld.idx.msk [tilespmem:v59+s14+$0x0], $0xffff;
	v2 =	vadd.f32 v3, v2;
	v3 =	vmul.f32 v58, v57  }
0x182: {  	v20 =	vor.u32 $0x12, v1;
	v19 =	vld.idx.msk [tilespmem:v59+s15+$0x0], $0xffff  }
0x183: {  	v21 =	vld.idx.msk [tilespmem:v62+s14+$0x0], $0xffff;
	v2 =	vadd.f32 v3, v2;
	v3 =	vmul.f32 v61, v60  }
0x184: {  	v23 =	vor.u32 $0x13, v1;
	v22 =	vld.idx.msk [tilespmem:v62+s15+$0x0], $0xffff  }
0x185: {  	v24 =	vld.idx.msk [tilespmem:v17+s14+$0x0], $0xffff;
	v2 =	vadd.f32 v3, v2;
	v3 =	vmul.f32 v16, v63  }
0x186: {  	v26 =	vor.u32 $0x14, v1;
	v25 =	vld.idx.msk [tilespmem:v17+s15+$0x0], $0xffff  }
0x187: {  	v27 =	vld.idx.msk [tilespmem:v20+s14+$0x0], $0xffff;
	v2 =	vadd.f32 v3, v2;
	v3 =	vmul.f32 v19, v18  }
0x188: {  	v29 =	vor.u32 $0x15, v1;
	v28 =	vld.idx.msk [tilespmem:v20+s15+$0x0], $0xffff  }
0x189: {  	v30 =	vld.idx.msk [tilespmem:v23+s14+$0x0], $0xffff;
	v2 =	vadd.f32 v3, v2;
	v3 =	vmul.f32 v22, v21  }
0x18a: {  	v32 =	vor.u32 $0x16, v1;
	v31 =	vld.idx.msk [tilespmem:v23+s15+$0x0], $0xffff  }
0x18b: {  	v33 =	vld.idx.msk [tilespmem:v26+s14+$0x0], $0xffff;
	v2 =	vadd.f32 v3, v2;
	v3 =	vmul.f32 v25, v24  }
0x18c: {  	v35 =	vor.u32 $0x17, v1;
	v34 =	vld.idx.msk [tilespmem:v26+s15+$0x0], $0xffff  }
0x18d: {  	v36 =	vld.idx.msk [tilespmem:v29+s14+$0x0], $0xffff;
	v2 =	vadd.f32 v3, v2;
	v3 =	vmul.f32 v28, v27  }
0x18e: {  	v38 =	vor.u32 $0x18, v1;
	v37 =	vld.idx.msk [tilespmem:v29+s15+$0x0], $0xffff  }
0x18f: {  	v39 =	vld.idx.msk [tilespmem:v32+s14+$0x0], $0xffff;
	v2 =	vadd.f32 v3, v2;
	v3 =	vmul.f32 v31, v30  }
0x190: {  	v41 =	vor.u32 $0x19, v1;
	v40 =	vld.idx.msk [tilespmem:v32+s15+$0x0], $0xffff  }
0x191: {  	v42 =	vld.idx.msk [tilespmem:v35+s14+$0x0], $0xffff;
	v2 =	vadd.f32 v3, v2;
	v3 =	vmul.f32 v34, v33  }
0x192: {  	v44 =	vor.u32 $0x1A, v1;
	v43 =	vld.idx.msk [tilespmem:v35+s15+$0x0], $0xffff  }
0x193: {  	v45 =	vld.idx.msk [tilespmem:v38+s14+$0x0], $0xffff;
	v2 =	vadd.f32 v3, v2;
	v3 =	vmul.f32 v37, v36  }
0x194: {  	v47 =	vor.u32 $0x1B, v1;
	v46 =	vld.idx.msk [tilespmem:v38+s15+$0x0], $0xffff  }
0x195: {  	v48 =	vld.idx.msk [tilespmem:v41+s14+$0x0], $0xffff;
	v2 =	vadd.f32 v3, v2;
	v3 =	vmul.f32 v40, v39  }
0x196: {  	v50 =	vor.u32 $0x1C, v1;
	v49 =	vld.idx.msk [tilespmem:v41+s15+$0x0], $0xffff  }
0x197: {  	v51 =	vld.idx.msk [tilespmem:v44+s14+$0x0], $0xffff;
	v2 =	vadd.f32 v3, v2;
	v3 =	vmul.f32 v43, v42  }
0x198: {  	v53 =	vor.u32 $0x1D, v1;
	v52 =	vld.idx.msk [tilespmem:v44+s15+$0x0], $0xffff  }
0x199: {  	v54 =	vld.idx.msk [tilespmem:v47+s14+$0x0], $0xffff;
	v2 =	vadd.f32 v3, v2;
	v3 =	vmul.f32 v46, v45  }
0x19a: {  	v56 =	vor.u32 $0x1E, v1;
	v55 =	vld.idx.msk [tilespmem:v47+s15+$0x0], $0xffff  }
0x19b: {  	v57 =	vld.idx.msk [tilespmem:v50+s14+$0x0], $0xffff;
	v2 =	vadd.f32 v3, v2;
	v3 =	vmul.f32 v49, v48  }
0x19c: {  	v1 =	vor.u32 $0x1F, v1;
	v58 =	vld.idx.msk [tilespmem:v50+s15+$0x0], $0xffff  }
0x19d: {  	v59 =	vld.idx.msk [tilespmem:v53+s14+$0x0], $0xffff;
	v2 =	vadd.f32 v3, v2;
	v3 =	vmul.f32 v52, v51  }
0x19e: {  	v60 =	vld.idx.msk [tilespmem:v53+s15+$0x0], $0xffff  }
0x19f: {  	v62 =	vld.idx.msk [tilespmem:v56+s15+$0x0], $0xffff;
	v2 =	vadd.f32 v3, v2;
	v3 =	vmul.f32 v55, v54  }
0x1a0: {  	v61 =	vld.idx.msk [tilespmem:v56+s14+$0x0], $0xffff  }
0x1a1: {  	v63 =	vld.idx.msk [tilespmem:v1+s14+$0x0], $0xffff;
	v2 =	vadd.f32 v3, v2;
	v3 =	vmul.f32 v58, v57  }
0x1a2: {  	v1 =	vld.idx.msk [tilespmem:v1+s15+$0x0], $0xffff  }
0x1a3: {  	v2 =	vadd.f32 v3, v2;
	v3 =	vmul.f32 v60, v59;
	_ =	sdelay $0x1  }
0x1a4: {  	v2 =	vadd.f32 v3, v2;
	v3 =	vmul.f32 v62, v61;
	_ =	sdelay $0x1  }
0x1a5: {  	v1 =	vmul.f32 v1, v63;
	v2 =	vadd.f32 v3, v2;
	_ =	sdelay $0x1  }
0x1a6: {  	v1 =	vadd.f32 v1, v2;
	_ =	sdelay $0x1  }
0x1a7: {  	v1 =	vsub.f32 $0.0e+00, v1;
	_ =	sdelay $0x1  }
0x1a8: {  	v1 =	vmul.f32 $1.442695020e+00, v1;
	_ =	sdelay $0x1  }
0x1a9: {  	(erf) = vpow2.f32 v1;
	_ =	sdelay $0x8  }
0x1aa: {  	v1 =	vpop (erf)  }
0x1ab: {  	v1 =	vadd.f32 $1.000000000e+00, v1;
	_ =	sdelay $0x1  }
0x1ac: {  	(erf) = vrcp.f32 v1;
	_ =	sdelay $0x8  }
0x1ad: {  	v1 =	vpop (erf)  }
0x1ae: {  	s19 =	sadd.s32 $0x1, s19;
	v1 =	vmul.f32 $1.049999950e+00, v1  }
0x1af: {  	s25 =	sadd.s32 $0x10, s24;
	p0 =	sne.s32 s19, s10  }
.Ltmp1:
0x1b0: {  	[tilespmem:s25+$0x0] =	vst v1;
	(pc) =	sbr.rel @p0 .LBB2_1-.Ltmp1, $4  }
0x1b1: {  	[hbm4b:s9+s2] =	stream.linear.scatter [tilespmem:s18], [sflag:$0x2], $0x200, $0x38;
	[tilespmem:$0x8A00] =	vst v63  }
0x1b2: {  	_ =	swait.ge [sflag:s11], $0x200  }
0x1b3: {  	[sflag:s11] =	ssyncset.done $0x0  }
0x1b4: {  	[sflag:s11] =	ssyncadd.s32 $0xFFFFFE00  }
0x1b5: {  	_ =	sfence.sel $0x180000  }
0x1b6: {  	[bflag:$0x0] =	sbarrier.arrive $0xFFFF  }
0x1b7: {  	_ =	strace $0x90000047  }
0x1b8: {  	s0 =	stileid.u32;
	[bflag:$0x2] =	sbarrier.arrive $0xFFFF  }
0x1b9: {  	p0 =	sne.s32 s0, $0x0;
	s0 =	rddreg [dreg:$0x2]  }
0x1ba: {  	s0 =	sadd.s32 @!p0 $0x100000, s0  }
0x1bb: {  	[sflag:s0] =	ssyncadd.tile.s32 @!p0 $0x1;
	_ =	shalt  }
.Lfunc_end2:
_tile_overlayer_lowered:
.L_overlay_start_2:
0x1bc: {  	(tag) =	ssettag $0x2  }
0x1bd: {  	s0 =	rddreg [dreg:$0x0];
	s2 =	stileid.u32  }
0x1be: {  	s1 =	rddreg [dreg:$0x1];
	p0 =	sne.s32 s2, $0x0  }
0x1bf: {  	s3 =	rddreg [dreg:$0x2];
	[bflag:$0x3] =	sbarrier.arrive $0xFFFF;
	s2 =	simm.s32 @!p0 $0x1C02  }
0x1c0: {  	[timem:s3], [sflag:s2] =	dma.local @!p0 [hbm:s0], s1  }
0x1c1: {  	s0 =	simm.s32 @!p0 $0x2  }
0x1c2: {  	_ =	swait.ge @!p0 [sflag:s0], s1  }
0x1c3: {  	s1 =	ssub.s32 @!p0 $0x0, s1;
	[sflag:s0] =	ssyncset.done @!p0 $0x0  }
0x1c4: {  	[sflag:s0] =	ssyncadd.s32 @!p0 s1  }
0x1c5: {  	[bflag:$0x3] =	sbarrier.arrive $0xFFFF  }
0x1c6: {  	_ =	shalt  }

</sc_bundles>
